<compile_context>
chip_gen: v7x
topology: tpu7x:2x2x1
jax: 0.10.2.dev20260603
libtpu: 0.0.44.dev20260713+nightly
codegen_flags: <defaults>
</compile_context>

<pallas_src>
import jax
import jax.numpy as jnp
from jax import lax
from jax.experimental import pallas as pl
from jax.experimental.pallas import tpu as pltpu
from jax.experimental.pallas import tpu_sc as plsc

_B = 16384
_NSUB = 16
_CHUNK = _B // _NSUB
_L = 16
_NVEC = _CHUNK // _L


def _sc_body(names_hbm, iv_hbm, lk_hbm, emb_hbm, out_hbm,
             names_v, cnt_v, lk_v, emb_v, iv_v, out_v, buf_v, red_a, red_b,
             shared, sem, nsem):
    sid = lax.axis_index("s")
    base = sid * _CHUNK

    nh = pltpu.async_copy(names_hbm.at[pl.ds(base, _CHUNK)], names_v, nsem)

    @pl.when(sid == 0)
    def _prefetch():
        pltpu.async_copy(lk_hbm, lk_v, sem)
        pltpu.async_copy(emb_hbm, emb_v, sem)
        pltpu.async_copy(iv_hbm, iv_v, sem)

    nh.wait()

    zeros = jnp.zeros((_L,), jnp.int32)
    acc_a = zeros
    acc_b = zeros
    acc_t = zeros
    for i in range(_NVEC):
        v = names_v[pl.ds(i * _L, _L)]
        a = v & 1
        b = v >> 1
        acc_a = acc_a + a
        acc_b = acc_b + b
        acc_t = acc_t + (a & b)

    iota = lax.iota(jnp.int32, _L)

    x = acc_a + (acc_t << 16)
    y = acc_b
    for sh in (8, 4, 2, 1):
        red_a[...] = x
        red_b[...] = y
        x = x + plsc.load_gather(red_a, [iota ^ sh])
        y = y + plsc.load_gather(red_b, [iota ^ sh])
    c3 = x >> 16
    c1 = (x & 0xFFFF) - c3
    c2 = y - c3
    c0 = jnp.full((_L,), _CHUNK, jnp.int32) - c1 - c2 - c3

    cvec = jnp.where(iota < 3, c0,
           jnp.where(iota < 6, c1,
           jnp.where(iota < 9, c2,
           jnp.where(iota < 12, c3, zeros))))
    cnt_v[...] = cvec
    pltpu.sync_copy(cnt_v, shared.at[pl.ds(sid * _L, _L)])
    plsc.subcore_barrier()

    @pl.when(sid == 0)
    def _finalize():
        pltpu.sync_copy(shared, buf_v)
        tot = buf_v[pl.ds(0, _L)]
        for i in range(1, _NSUB):
            tot = tot + buf_v[pl.ds(i * _L, _L)]

        pltpu.make_async_copy(lk_hbm, lk_v, sem).wait()
        pltpu.make_async_copy(emb_hbm, emb_v, sem).wait()
        pltpu.make_async_copy(iv_hbm, iv_v, sem).wait()

        k_of_j = (iota * 11) >> 5
        kidx = jnp.where(iota < 12, k_of_j, 0)
        didx = jnp.where(iota < 12, iota - 3 * k_of_j, 0)
        lvg = plsc.load_gather(lk_v, [kidx])
        eg = plsc.load_gather(emb_v, [lvg * 3 + didx])
        d_idx = jnp.where(iota < 3, iota, 0)
        giv = plsc.load_gather(iv_v, [d_idx])

        prod = tot.astype(jnp.float32) * eg
        out_v[...] = prod
        g1 = plsc.load_gather(out_v, [jnp.minimum(iota + 3, 15)])
        g2 = plsc.load_gather(out_v, [jnp.minimum(iota + 6, 15)])
        g3 = plsc.load_gather(out_v, [jnp.minimum(iota + 9, 15)])
        acc = prod + g1 + g2 + g3 + giv
        out_v[...] = acc
        pltpu.sync_copy(out_v.at[pl.ds(0, 3)], out_hbm)


@jax.jit
def kernel(input_names, input_vector, lookup_vals, emb_table):
    names = input_names.astype(jnp.int32)
    lk = lookup_vals.astype(jnp.int32)
    emb_flat = emb_table.reshape(-1)
    mesh = plsc.VectorSubcoreMesh(
        core_axis_name="c", subcore_axis_name="s", num_cores=1)
    out = pl.kernel(
        _sc_body,
        out_type=jax.ShapeDtypeStruct((3,), jnp.float32),
        mesh=mesh,
        compiler_params=pltpu.CompilerParams(needs_layout_passes=False),
        scratch_types=[
            pltpu.VMEM((_CHUNK,), jnp.int32),
            pltpu.VMEM((_L,), jnp.int32),
            pltpu.VMEM((4,), jnp.int32),
            pltpu.VMEM((12,), jnp.float32),
            pltpu.VMEM((3,), jnp.float32),
            pltpu.VMEM((_L,), jnp.float32),
            pltpu.VMEM((_NSUB * _L,), jnp.int32),
            pltpu.VMEM((_L,), jnp.int32),
            pltpu.VMEM((_L,), jnp.int32),
            pltpu.VMEM_SHARED((_NSUB * _L,), jnp.int32),
            pltpu.SemaphoreType.DMA,
            pltpu.SemaphoreType.DMA,
        ],
    )(names, input_vector, lk, emb_flat)
    return out

# --- scband reference (transcript-rebuilt; emitter-appended) ---
"""Pipeline reference for scband-string-input-model-50895362458022 (READ-ONLY COPY).

The authoritative reference and input builder live on the scoring server;
editing this copy changes nothing except your own understanding.
"""

import jax, jax.numpy as jnp
import numpy as np


def setup_inputs(seed: int = 0) -> dict:
    key = jax.random.key(seed)
    k1, k2, k3 = jax.random.split(key, 3)
    B = 16384
    num_keys = 4  # size of str_to_int_map
    emb_rows, emb_dim = 4, 3  # Embedding(input_dim=4, output_dim=3)
    # input_names: strings are modeled as integer key-ids into the hash-table key set
    input_names = jax.random.randint(k1, (B,), 0, num_keys, dtype=jnp.int64)
    input_vector = jax.random.normal(k2, (emb_dim,), dtype=jnp.float32)
    # StaticHashTable values: str -> int mapping (identity here, sku_i -> i), default -1 never hit
    lookup_vals = jnp.arange(num_keys, dtype=jnp.int32)
    # learned embedding table
    emb_table = jax.random.normal(k3, (emb_rows, emb_dim), dtype=jnp.float32) * 0.05
    return {
        "input_names": input_names,
        "input_vector": input_vector,
        "lookup_vals": lookup_vals,
        "emb_table": emb_table,
    }


def reference(input_names, input_vector, lookup_vals, emb_table):
    # str_to_int.lookup(input_names): hash-table gather modeled as array gather
    int_vec = jnp.take(lookup_vals, input_names, axis=0)
    # embedding lookup
    mat = jnp.take(emb_table, int_vec, axis=0)  # [B, 3]
    # reduce over batch axis, add input_vector
    result = jnp.sum(mat, axis=0) + input_vector  # [3]
    return result

if __name__ == "__main__":
    import jax
    _d = setup_inputs()
    print(jax.jit(kernel)(*tuple(_d.values())))

</pallas_src>

<mosaic_0001>
#map = affine_map<(d0, d1) -> (0)>
module attributes {stable_mosaic.version = 14 : i64} {
  func.func @_sc_body(%arg0: i32, %arg1: i32, %arg2: memref<16384xi32, #tpu.memory_space<hbm>>, %arg3: memref<3xf32, #tpu.memory_space<hbm>>, %arg4: memref<4xi32, #tpu.memory_space<hbm>>, %arg5: memref<12xf32, #tpu.memory_space<hbm>>, %arg6: memref<3xf32, #tpu.memory_space<hbm>>, %arg7: memref<1024xi32, #tpu.memory_space<vmem>>, %arg8: memref<16xi32, #tpu.memory_space<vmem>>, %arg9: memref<4xi32, #tpu.memory_space<vmem>>, %arg10: memref<12xf32, #tpu.memory_space<vmem>>, %arg11: memref<3xf32, #tpu.memory_space<vmem>>, %arg12: memref<16xf32, #tpu.memory_space<vmem>>, %arg13: memref<256xi32, #tpu.memory_space<vmem>>, %arg14: memref<16xi32, #tpu.memory_space<vmem>>, %arg15: memref<16xi32, #tpu.memory_space<vmem>>, %arg16: memref<256xi32, #tpu.memory_space<vmem_shared>>, %arg17: memref<!tpu.dma_semaphore, #tpu.memory_space<semaphore_mem>>, %arg18: memref<!tpu.dma_semaphore, #tpu.memory_space<semaphore_mem>>) attributes {dimension_semantics = [#tpu.dimension_semantics<core_parallel>, #tpu.dimension_semantics<subcore_parallel>], iteration_bounds = array<i64: 1, 16>, scalar_prefetch = 0 : i64, scratch_operands = 12 : i64, tpu.core_type = #tpu.core_type<sc_vector_subcore>, window_params = [{transform_indices = #map}, {transform_indices = #map}, {transform_indices = #map}, {transform_indices = #map}, {transform_indices = #map}]} {
    %mul3A = arith.constant 1024 : i32
    %mul3A_0 = arith.muli %arg1, %mul3A : i32
    %dma_start3A = tpu.memref_slice %arg2[%mul3A_0] : memref<16384xi32, #tpu.memory_space<hbm>> -> memref<1024xi32, #tpu.memory_space<hbm>>
    %dma_start3A_1 = tpu.memref_slice %arg2[%mul3A_0] : memref<16384xi32, #tpu.memory_space<hbm>> -> memref<1024xi32, #tpu.memory_space<hbm>>
    tpu.enqueue_dma source(%dma_start3A_1 : memref<1024xi32, #tpu.memory_space<hbm>>) target(%arg7 : memref<1024xi32, #tpu.memory_space<vmem>>) target_semaphore(%arg18 : memref<!tpu.dma_semaphore, #tpu.memory_space<semaphore_mem>>)
    %eq3A = arith.constant 0 : i32
    %eq3A_2 = arith.cmpi eq, %arg1, %eq3A : i32
    %convert_element_type3A = arith.extui %eq3A_2 : i1 to i32
    %cond3A = arith.constant 0 : i32
    %cond3A_3 = arith.cmpi ne, %convert_element_type3A, %cond3A : i32
    scf.if %cond3A_3 {
      tpu.enqueue_dma source(%arg4 : memref<4xi32, #tpu.memory_space<hbm>>) target(%arg9 : memref<4xi32, #tpu.memory_space<vmem>>) target_semaphore(%arg17 : memref<!tpu.dma_semaphore, #tpu.memory_space<semaphore_mem>>)
      tpu.enqueue_dma source(%arg5 : memref<12xf32, #tpu.memory_space<hbm>>) target(%arg10 : memref<12xf32, #tpu.memory_space<vmem>>) target_semaphore(%arg17 : memref<!tpu.dma_semaphore, #tpu.memory_space<semaphore_mem>>)
      tpu.enqueue_dma source(%arg3 : memref<3xf32, #tpu.memory_space<hbm>>) target(%arg11 : memref<3xf32, #tpu.memory_space<vmem>>) target_semaphore(%arg17 : memref<!tpu.dma_semaphore, #tpu.memory_space<semaphore_mem>>)
    } else {
    }
    %dma_wait3A = tpu.memref_slice %arg2[%mul3A_0] : memref<16384xi32, #tpu.memory_space<hbm>> -> memref<1024xi32, #tpu.memory_space<hbm>>
    %dma_wait3A_4 = tpu.memref_slice %arg2[%mul3A_0] : memref<16384xi32, #tpu.memory_space<hbm>> -> memref<1024xi32, #tpu.memory_space<hbm>>
    tpu.wait_dma2 semaphore(%arg18 : memref<!tpu.dma_semaphore, #tpu.memory_space<semaphore_mem>>) src(%dma_wait3A_4 : memref<1024xi32, #tpu.memory_space<hbm>>) dst(%arg7 : memref<1024xi32, #tpu.memory_space<vmem>>)
    %broadcast_in_dim3A = arith.constant 0 : i32
    %broadcast_in_dim3A_5 = vector.broadcast %broadcast_in_dim3A : i32 to vector<16xi32>
    %get3A = arith.constant 0 : index
    %get3A_6 = tpu.vector_load %arg7[%get3A] {strides = array<i32>} : memref<1024xi32, #tpu.memory_space<vmem>>, vector<16xi32>,
    %and3A = arith.constant 1 : i32
    %and3A_7 = vector.broadcast %and3A : i32 to vector<16xi32>
    %and3A_8 = arith.andi %get3A_6, %and3A_7 : vector<16xi32>
    %shift_right_arithmetic3A = arith.constant 1 : i32
    %shift_right_arithmetic3A_9 = vector.broadcast %shift_right_arithmetic3A : i32 to vector<16xi32>
    %shift_right_arithmetic3A_10 = arith.shrsi %get3A_6, %shift_right_arithmetic3A_9 : vector<16xi32>
    %add3A = arith.addi %broadcast_in_dim3A_5, %and3A_8 : vector<16xi32>
    %add3A_11 = arith.addi %broadcast_in_dim3A_5, %shift_right_arithmetic3A_10 : vector<16xi32>
    %and3A_12 = arith.andi %and3A_8, %shift_right_arithmetic3A_10 : vector<16xi32>
    %add3A_13 = arith.addi %broadcast_in_dim3A_5, %and3A_12 : vector<16xi32>
    %get3A_14 = arith.constant 16 : index
    %get3A_15 = tpu.vector_load %arg7[%get3A_14] {strides = array<i32>} : memref<1024xi32, #tpu.memory_space<vmem>>, vector<16xi32>,
    %and3A_16 = arith.constant 1 : i32
    %and3A_17 = vector.broadcast %and3A_16 : i32 to vector<16xi32>
    %and3A_18 = arith.andi %get3A_15, %and3A_17 : vector<16xi32>
    %shift_right_arithmetic3A_19 = arith.constant 1 : i32
    %shift_right_arithmetic3A_20 = vector.broadcast %shift_right_arithmetic3A_19 : i32 to vector<16xi32>
    %shift_right_arithmetic3A_21 = arith.shrsi %get3A_15, %shift_right_arithmetic3A_20 : vector<16xi32>
    %add3A_22 = arith.addi %add3A, %and3A_18 : vector<16xi32>
    %add3A_23 = arith.addi %add3A_11, %shift_right_arithmetic3A_21 : vector<16xi32>
    %and3A_24 = arith.andi %and3A_18, %shift_right_arithmetic3A_21 : vector<16xi32>
    %add3A_25 = arith.addi %add3A_13, %and3A_24 : vector<16xi32>
    %get3A_26 = arith.constant 32 : index
    %get3A_27 = tpu.vector_load %arg7[%get3A_26] {strides = array<i32>} : memref<1024xi32, #tpu.memory_space<vmem>>, vector<16xi32>,
    %and3A_28 = arith.constant 1 : i32
    %and3A_29 = vector.broadcast %and3A_28 : i32 to vector<16xi32>
    %and3A_30 = arith.andi %get3A_27, %and3A_29 : vector<16xi32>
    %shift_right_arithmetic3A_31 = arith.constant 1 : i32
    %shift_right_arithmetic3A_32 = vector.broadcast %shift_right_arithmetic3A_31 : i32 to vector<16xi32>
    %shift_right_arithmetic3A_33 = arith.shrsi %get3A_27, %shift_right_arithmetic3A_32 : vector<16xi32>
    %add3A_34 = arith.addi %add3A_22, %and3A_30 : vector<16xi32>
    %add3A_35 = arith.addi %add3A_23, %shift_right_arithmetic3A_33 : vector<16xi32>
    %and3A_36 = arith.andi %and3A_30, %shift_right_arithmetic3A_33 : vector<16xi32>
    %add3A_37 = arith.addi %add3A_25, %and3A_36 : vector<16xi32>
    %get3A_38 = arith.constant 48 : index
    %get3A_39 = tpu.vector_load %arg7[%get3A_38] {strides = array<i32>} : memref<1024xi32, #tpu.memory_space<vmem>>, vector<16xi32>,
    %and3A_40 = arith.constant 1 : i32
    %and3A_41 = vector.broadcast %and3A_40 : i32 to vector<16xi32>
    %and3A_42 = arith.andi %get3A_39, %and3A_41 : vector<16xi32>
    %shift_right_arithmetic3A_43 = arith.constant 1 : i32
    %shift_right_arithmetic3A_44 = vector.broadcast %shift_right_arithmetic3A_43 : i32 to vector<16xi32>
    %shift_right_arithmetic3A_45 = arith.shrsi %get3A_39, %shift_right_arithmetic3A_44 : vector<16xi32>
    %add3A_46 = arith.addi %add3A_34, %and3A_42 : vector<16xi32>
    %add3A_47 = arith.addi %add3A_35, %shift_right_arithmetic3A_45 : vector<16xi32>
    %and3A_48 = arith.andi %and3A_42, %shift_right_arithmetic3A_45 : vector<16xi32>
    %add3A_49 = arith.addi %add3A_37, %and3A_48 : vector<16xi32>
    %get3A_50 = arith.constant 64 : index
    %get3A_51 = tpu.vector_load %arg7[%get3A_50] {strides = array<i32>} : memref<1024xi32, #tpu.memory_space<vmem>>, vector<16xi32>,
    %and3A_52 = arith.constant 1 : i32
    %and3A_53 = vector.broadcast %and3A_52 : i32 to vector<16xi32>
    %and3A_54 = arith.andi %get3A_51, %and3A_53 : vector<16xi32>
    %shift_right_arithmetic3A_55 = arith.constant 1 : i32
    %shift_right_arithmetic3A_56 = vector.broadcast %shift_right_arithmetic3A_55 : i32 to vector<16xi32>
    %shift_right_arithmetic3A_57 = arith.shrsi %get3A_51, %shift_right_arithmetic3A_56 : vector<16xi32>
    %add3A_58 = arith.addi %add3A_46, %and3A_54 : vector<16xi32>
    %add3A_59 = arith.addi %add3A_47, %shift_right_arithmetic3A_57 : vector<16xi32>
    %and3A_60 = arith.andi %and3A_54, %shift_right_arithmetic3A_57 : vector<16xi32>
    %add3A_61 = arith.addi %add3A_49, %and3A_60 : vector<16xi32>
    %get3A_62 = arith.constant 80 : index
    %get3A_63 = tpu.vector_load %arg7[%get3A_62] {strides = array<i32>} : memref<1024xi32, #tpu.memory_space<vmem>>, vector<16xi32>,
    %and3A_64 = arith.constant 1 : i32
    %and3A_65 = vector.broadcast %and3A_64 : i32 to vector<16xi32>
    %and3A_66 = arith.andi %get3A_63, %and3A_65 : vector<16xi32>
    %shift_right_arithmetic3A_67 = arith.constant 1 : i32
    %shift_right_arithmetic3A_68 = vector.broadcast %shift_right_arithmetic3A_67 : i32 to vector<16xi32>
    %shift_right_arithmetic3A_69 = arith.shrsi %get3A_63, %shift_right_arithmetic3A_68 : vector<16xi32>
    %add3A_70 = arith.addi %add3A_58, %and3A_66 : vector<16xi32>
    %add3A_71 = arith.addi %add3A_59, %shift_right_arithmetic3A_69 : vector<16xi32>
    %and3A_72 = arith.andi %and3A_66, %shift_right_arithmetic3A_69 : vector<16xi32>
    %add3A_73 = arith.addi %add3A_61, %and3A_72 : vector<16xi32>
    %get3A_74 = arith.constant 96 : index
    %get3A_75 = tpu.vector_load %arg7[%get3A_74] {strides = array<i32>} : memref<1024xi32, #tpu.memory_space<vmem>>, vector<16xi32>,
    %and3A_76 = arith.constant 1 : i32
    %and3A_77 = vector.broadcast %and3A_76 : i32 to vector<16xi32>
    %and3A_78 = arith.andi %get3A_75, %and3A_77 : vector<16xi32>
    %shift_right_arithmetic3A_79 = arith.constant 1 : i32
    %shift_right_arithmetic3A_80 = vector.broadcast %shift_right_arithmetic3A_79 : i32 to vector<16xi32>
    %shift_right_arithmetic3A_81 = arith.shrsi %get3A_75, %shift_right_arithmetic3A_80 : vector<16xi32>
    %add3A_82 = arith.addi %add3A_70, %and3A_78 : vector<16xi32>
    %add3A_83 = arith.addi %add3A_71, %shift_right_arithmetic3A_81 : vector<16xi32>
    %and3A_84 = arith.andi %and3A_78, %shift_right_arithmetic3A_81 : vector<16xi32>
    %add3A_85 = arith.addi %add3A_73, %and3A_84 : vector<16xi32>
    %get3A_86 = arith.constant 112 : index
    %get3A_87 = tpu.vector_load %arg7[%get3A_86] {strides = array<i32>} : memref<1024xi32, #tpu.memory_space<vmem>>, vector<16xi32>,
    %and3A_88 = arith.constant 1 : i32
    %and3A_89 = vector.broadcast %and3A_88 : i32 to vector<16xi32>
    %and3A_90 = arith.andi %get3A_87, %and3A_89 : vector<16xi32>
    %shift_right_arithmetic3A_91 = arith.constant 1 : i32
    %shift_right_arithmetic3A_92 = vector.broadcast %shift_right_arithmetic3A_91 : i32 to vector<16xi32>
    %shift_right_arithmetic3A_93 = arith.shrsi %get3A_87, %shift_right_arithmetic3A_92 : vector<16xi32>
    %add3A_94 = arith.addi %add3A_82, %and3A_90 : vector<16xi32>
    %add3A_95 = arith.addi %add3A_83, %shift_right_arithmetic3A_93 : vector<16xi32>
    %and3A_96 = arith.andi %and3A_90, %shift_right_arithmetic3A_93 : vector<16xi32>
    %add3A_97 = arith.addi %add3A_85, %and3A_96 : vector<16xi32>
    %get3A_98 = arith.constant 128 : index
    %get3A_99 = tpu.vector_load %arg7[%get3A_98] {strides = array<i32>} : memref<1024xi32, #tpu.memory_space<vmem>>, vector<16xi32>,
    %and3A_100 = arith.constant 1 : i32
    %and3A_101 = vector.broadcast %and3A_100 : i32 to vector<16xi32>
    %and3A_102 = arith.andi %get3A_99, %and3A_101 : vector<16xi32>
    %shift_right_arithmetic3A_103 = arith.constant 1 : i32
    %shift_right_arithmetic3A_104 = vector.broadcast %shift_right_arithmetic3A_103 : i32 to vector<16xi32>
    %shift_right_arithmetic3A_105 = arith.shrsi %get3A_99, %shift_right_arithmetic3A_104 : vector<16xi32>
    %add3A_106 = arith.addi %add3A_94, %and3A_102 : vector<16xi32>
    %add3A_107 = arith.addi %add3A_95, %shift_right_arithmetic3A_105 : vector<16xi32>
    %and3A_108 = arith.andi %and3A_102, %shift_right_arithmetic3A_105 : vector<16xi32>
    %add3A_109 = arith.addi %add3A_97, %and3A_108 : vector<16xi32>
    %get3A_110 = arith.constant 144 : index
    %get3A_111 = tpu.vector_load %arg7[%get3A_110] {strides = array<i32>} : memref<1024xi32, #tpu.memory_space<vmem>>, vector<16xi32>,
    %and3A_112 = arith.constant 1 : i32
    %and3A_113 = vector.broadcast %and3A_112 : i32 to vector<16xi32>
    %and3A_114 = arith.andi %get3A_111, %and3A_113 : vector<16xi32>
    %shift_right_arithmetic3A_115 = arith.constant 1 : i32
    %shift_right_arithmetic3A_116 = vector.broadcast %shift_right_arithmetic3A_115 : i32 to vector<16xi32>
    %shift_right_arithmetic3A_117 = arith.shrsi %get3A_111, %shift_right_arithmetic3A_116 : vector<16xi32>
    %add3A_118 = arith.addi %add3A_106, %and3A_114 : vector<16xi32>
    %add3A_119 = arith.addi %add3A_107, %shift_right_arithmetic3A_117 : vector<16xi32>
    %and3A_120 = arith.andi %and3A_114, %shift_right_arithmetic3A_117 : vector<16xi32>
    %add3A_121 = arith.addi %add3A_109, %and3A_120 : vector<16xi32>
    %get3A_122 = arith.constant 160 : index
    %get3A_123 = tpu.vector_load %arg7[%get3A_122] {strides = array<i32>} : memref<1024xi32, #tpu.memory_space<vmem>>, vector<16xi32>,
    %and3A_124 = arith.constant 1 : i32
    %and3A_125 = vector.broadcast %and3A_124 : i32 to vector<16xi32>
    %and3A_126 = arith.andi %get3A_123, %and3A_125 : vector<16xi32>
    %shift_right_arithmetic3A_127 = arith.constant 1 : i32
    %shift_right_arithmetic3A_128 = vector.broadcast %shift_right_arithmetic3A_127 : i32 to vector<16xi32>
    %shift_right_arithmetic3A_129 = arith.shrsi %get3A_123, %shift_right_arithmetic3A_128 : vector<16xi32>
    %add3A_130 = arith.addi %add3A_118, %and3A_126 : vector<16xi32>
    %add3A_131 = arith.addi %add3A_119, %shift_right_arithmetic3A_129 : vector<16xi32>
    %and3A_132 = arith.andi %and3A_126, %shift_right_arithmetic3A_129 : vector<16xi32>
    %add3A_133 = arith.addi %add3A_121, %and3A_132 : vector<16xi32>
    %get3A_134 = arith.constant 176 : index
    %get3A_135 = tpu.vector_load %arg7[%get3A_134] {strides = array<i32>} : memref<1024xi32, #tpu.memory_space<vmem>>, vector<16xi32>,
    %and3A_136 = arith.constant 1 : i32
    %and3A_137 = vector.broadcast %and3A_136 : i32 to vector<16xi32>
    %and3A_138 = arith.andi %get3A_135, %and3A_137 : vector<16xi32>
    %shift_right_arithmetic3A_139 = arith.constant 1 : i32
    %shift_right_arithmetic3A_140 = vector.broadcast %shift_right_arithmetic3A_139 : i32 to vector<16xi32>
    %shift_right_arithmetic3A_141 = arith.shrsi %get3A_135, %shift_right_arithmetic3A_140 : vector<16xi32>
    %add3A_142 = arith.addi %add3A_130, %and3A_138 : vector<16xi32>
    %add3A_143 = arith.addi %add3A_131, %shift_right_arithmetic3A_141 : vector<16xi32>
    %and3A_144 = arith.andi %and3A_138, %shift_right_arithmetic3A_141 : vector<16xi32>
    %add3A_145 = arith.addi %add3A_133, %and3A_144 : vector<16xi32>
    %get3A_146 = arith.constant 192 : index
    %get3A_147 = tpu.vector_load %arg7[%get3A_146] {strides = array<i32>} : memref<1024xi32, #tpu.memory_space<vmem>>, vector<16xi32>,
    %and3A_148 = arith.constant 1 : i32
    %and3A_149 = vector.broadcast %and3A_148 : i32 to vector<16xi32>
    %and3A_150 = arith.andi %get3A_147, %and3A_149 : vector<16xi32>
    %shift_right_arithmetic3A_151 = arith.constant 1 : i32
    %shift_right_arithmetic3A_152 = vector.broadcast %shift_right_arithmetic3A_151 : i32 to vector<16xi32>
    %shift_right_arithmetic3A_153 = arith.shrsi %get3A_147, %shift_right_arithmetic3A_152 : vector<16xi32>
    %add3A_154 = arith.addi %add3A_142, %and3A_150 : vector<16xi32>
    %add3A_155 = arith.addi %add3A_143, %shift_right_arithmetic3A_153 : vector<16xi32>
    %and3A_156 = arith.andi %and3A_150, %shift_right_arithmetic3A_153 : vector<16xi32>
    %add3A_157 = arith.addi %add3A_145, %and3A_156 : vector<16xi32>
    %get3A_158 = arith.constant 208 : index
    %get3A_159 = tpu.vector_load %arg7[%get3A_158] {strides = array<i32>} : memref<1024xi32, #tpu.memory_space<vmem>>, vector<16xi32>,
    %and3A_160 = arith.constant 1 : i32
    %and3A_161 = vector.broadcast %and3A_160 : i32 to vector<16xi32>
    %and3A_162 = arith.andi %get3A_159, %and3A_161 : vector<16xi32>
    %shift_right_arithmetic3A_163 = arith.constant 1 : i32
    %shift_right_arithmetic3A_164 = vector.broadcast %shift_right_arithmetic3A_163 : i32 to vector<16xi32>
    %shift_right_arithmetic3A_165 = arith.shrsi %get3A_159, %shift_right_arithmetic3A_164 : vector<16xi32>
    %add3A_166 = arith.addi %add3A_154, %and3A_162 : vector<16xi32>
    %add3A_167 = arith.addi %add3A_155, %shift_right_arithmetic3A_165 : vector<16xi32>
    %and3A_168 = arith.andi %and3A_162, %shift_right_arithmetic3A_165 : vector<16xi32>
    %add3A_169 = arith.addi %add3A_157, %and3A_168 : vector<16xi32>
    %get3A_170 = arith.constant 224 : index
    %get3A_171 = tpu.vector_load %arg7[%get3A_170] {strides = array<i32>} : memref<1024xi32, #tpu.memory_space<vmem>>, vector<16xi32>,
    %and3A_172 = arith.constant 1 : i32
    %and3A_173 = vector.broadcast %and3A_172 : i32 to vector<16xi32>
    %and3A_174 = arith.andi %get3A_171, %and3A_173 : vector<16xi32>
    %shift_right_arithmetic3A_175 = arith.constant 1 : i32
    %shift_right_arithmetic3A_176 = vector.broadcast %shift_right_arithmetic3A_175 : i32 to vector<16xi32>
    %shift_right_arithmetic3A_177 = arith.shrsi %get3A_171, %shift_right_arithmetic3A_176 : vector<16xi32>
    %add3A_178 = arith.addi %add3A_166, %and3A_174 : vector<16xi32>
    %add3A_179 = arith.addi %add3A_167, %shift_right_arithmetic3A_177 : vector<16xi32>
    %and3A_180 = arith.andi %and3A_174, %shift_right_arithmetic3A_177 : vector<16xi32>
    %add3A_181 = arith.addi %add3A_169, %and3A_180 : vector<16xi32>
    %get3A_182 = arith.constant 240 : index
    %get3A_183 = tpu.vector_load %arg7[%get3A_182] {strides = array<i32>} : memref<1024xi32, #tpu.memory_space<vmem>>, vector<16xi32>,
    %and3A_184 = arith.constant 1 : i32
    %and3A_185 = vector.broadcast %and3A_184 : i32 to vector<16xi32>
    %and3A_186 = arith.andi %get3A_183, %and3A_185 : vector<16xi32>
    %shift_right_arithmetic3A_187 = arith.constant 1 : i32
    %shift_right_arithmetic3A_188 = vector.broadcast %shift_right_arithmetic3A_187 : i32 to vector<16xi32>
    %shift_right_arithmetic3A_189 = arith.shrsi %get3A_183, %shift_right_arithmetic3A_188 : vector<16xi32>
    %add3A_190 = arith.addi %add3A_178, %and3A_186 : vector<16xi32>
    %add3A_191 = arith.addi %add3A_179, %shift_right_arithmetic3A_189 : vector<16xi32>
    %and3A_192 = arith.andi %and3A_186, %shift_right_arithmetic3A_189 : vector<16xi32>
    %add3A_193 = arith.addi %add3A_181, %and3A_192 : vector<16xi32>
    %get3A_194 = arith.constant 256 : index
    %get3A_195 = tpu.vector_load %arg7[%get3A_194] {strides = array<i32>} : memref<1024xi32, #tpu.memory_space<vmem>>, vector<16xi32>,
    %and3A_196 = arith.constant 1 : i32
    %and3A_197 = vector.broadcast %and3A_196 : i32 to vector<16xi32>
    %and3A_198 = arith.andi %get3A_195, %and3A_197 : vector<16xi32>
    %shift_right_arithmetic3A_199 = arith.constant 1 : i32
    %shift_right_arithmetic3A_200 = vector.broadcast %shift_right_arithmetic3A_199 : i32 to vector<16xi32>
    %shift_right_arithmetic3A_201 = arith.shrsi %get3A_195, %shift_right_arithmetic3A_200 : vector<16xi32>
    %add3A_202 = arith.addi %add3A_190, %and3A_198 : vector<16xi32>
    %add3A_203 = arith.addi %add3A_191, %shift_right_arithmetic3A_201 : vector<16xi32>
    %and3A_204 = arith.andi %and3A_198, %shift_right_arithmetic3A_201 : vector<16xi32>
    %add3A_205 = arith.addi %add3A_193, %and3A_204 : vector<16xi32>
    %get3A_206 = arith.constant 272 : index
    %get3A_207 = tpu.vector_load %arg7[%get3A_206] {strides = array<i32>} : memref<1024xi32, #tpu.memory_space<vmem>>, vector<16xi32>,
    %and3A_208 = arith.constant 1 : i32
    %and3A_209 = vector.broadcast %and3A_208 : i32 to vector<16xi32>
    %and3A_210 = arith.andi %get3A_207, %and3A_209 : vector<16xi32>
    %shift_right_arithmetic3A_211 = arith.constant 1 : i32
    %shift_right_arithmetic3A_212 = vector.broadcast %shift_right_arithmetic3A_211 : i32 to vector<16xi32>
    %shift_right_arithmetic3A_213 = arith.shrsi %get3A_207, %shift_right_arithmetic3A_212 : vector<16xi32>
    %add3A_214 = arith.addi %add3A_202, %and3A_210 : vector<16xi32>
    %add3A_215 = arith.addi %add3A_203, %shift_right_arithmetic3A_213 : vector<16xi32>
    %and3A_216 = arith.andi %and3A_210, %shift_right_arithmetic3A_213 : vector<16xi32>
    %add3A_217 = arith.addi %add3A_205, %and3A_216 : vector<16xi32>
    %get3A_218 = arith.constant 288 : index
    %get3A_219 = tpu.vector_load %arg7[%get3A_218] {strides = array<i32>} : memref<1024xi32, #tpu.memory_space<vmem>>, vector<16xi32>,
    %and3A_220 = arith.constant 1 : i32
    %and3A_221 = vector.broadcast %and3A_220 : i32 to vector<16xi32>
    %and3A_222 = arith.andi %get3A_219, %and3A_221 : vector<16xi32>
    %shift_right_arithmetic3A_223 = arith.constant 1 : i32
    %shift_right_arithmetic3A_224 = vector.broadcast %shift_right_arithmetic3A_223 : i32 to vector<16xi32>
    %shift_right_arithmetic3A_225 = arith.shrsi %get3A_219, %shift_right_arithmetic3A_224 : vector<16xi32>
    %add3A_226 = arith.addi %add3A_214, %and3A_222 : vector<16xi32>
    %add3A_227 = arith.addi %add3A_215, %shift_right_arithmetic3A_225 : vector<16xi32>
    %and3A_228 = arith.andi %and3A_222, %shift_right_arithmetic3A_225 : vector<16xi32>
    %add3A_229 = arith.addi %add3A_217, %and3A_228 : vector<16xi32>
    %get3A_230 = arith.constant 304 : index
    %get3A_231 = tpu.vector_load %arg7[%get3A_230] {strides = array<i32>} : memref<1024xi32, #tpu.memory_space<vmem>>, vector<16xi32>,
    %and3A_232 = arith.constant 1 : i32
    %and3A_233 = vector.broadcast %and3A_232 : i32 to vector<16xi32>
    %and3A_234 = arith.andi %get3A_231, %and3A_233 : vector<16xi32>
    %shift_right_arithmetic3A_235 = arith.constant 1 : i32
    %shift_right_arithmetic3A_236 = vector.broadcast %shift_right_arithmetic3A_235 : i32 to vector<16xi32>
    %shift_right_arithmetic3A_237 = arith.shrsi %get3A_231, %shift_right_arithmetic3A_236 : vector<16xi32>
    %add3A_238 = arith.addi %add3A_226, %and3A_234 : vector<16xi32>
    %add3A_239 = arith.addi %add3A_227, %shift_right_arithmetic3A_237 : vector<16xi32>
    %and3A_240 = arith.andi %and3A_234, %shift_right_arithmetic3A_237 : vector<16xi32>
    %add3A_241 = arith.addi %add3A_229, %and3A_240 : vector<16xi32>
    %get3A_242 = arith.constant 320 : index
    %get3A_243 = tpu.vector_load %arg7[%get3A_242] {strides = array<i32>} : memref<1024xi32, #tpu.memory_space<vmem>>, vector<16xi32>,
    %and3A_244 = arith.constant 1 : i32
    %and3A_245 = vector.broadcast %and3A_244 : i32 to vector<16xi32>
    %and3A_246 = arith.andi %get3A_243, %and3A_245 : vector<16xi32>
    %shift_right_arithmetic3A_247 = arith.constant 1 : i32
    %shift_right_arithmetic3A_248 = vector.broadcast %shift_right_arithmetic3A_247 : i32 to vector<16xi32>
    %shift_right_arithmetic3A_249 = arith.shrsi %get3A_243, %shift_right_arithmetic3A_248 : vector<16xi32>
    %add3A_250 = arith.addi %add3A_238, %and3A_246 : vector<16xi32>
    %add3A_251 = arith.addi %add3A_239, %shift_right_arithmetic3A_249 : vector<16xi32>
    %and3A_252 = arith.andi %and3A_246, %shift_right_arithmetic3A_249 : vector<16xi32>
    %add3A_253 = arith.addi %add3A_241, %and3A_252 : vector<16xi32>
    %get3A_254 = arith.constant 336 : index
    %get3A_255 = tpu.vector_load %arg7[%get3A_254] {strides = array<i32>} : memref<1024xi32, #tpu.memory_space<vmem>>, vector<16xi32>,
    %and3A_256 = arith.constant 1 : i32
    %and3A_257 = vector.broadcast %and3A_256 : i32 to vector<16xi32>
    %and3A_258 = arith.andi %get3A_255, %and3A_257 : vector<16xi32>
    %shift_right_arithmetic3A_259 = arith.constant 1 : i32
    %shift_right_arithmetic3A_260 = vector.broadcast %shift_right_arithmetic3A_259 : i32 to vector<16xi32>
    %shift_right_arithmetic3A_261 = arith.shrsi %get3A_255, %shift_right_arithmetic3A_260 : vector<16xi32>
    %add3A_262 = arith.addi %add3A_250, %and3A_258 : vector<16xi32>
    %add3A_263 = arith.addi %add3A_251, %shift_right_arithmetic3A_261 : vector<16xi32>
    %and3A_264 = arith.andi %and3A_258, %shift_right_arithmetic3A_261 : vector<16xi32>
    %add3A_265 = arith.addi %add3A_253, %and3A_264 : vector<16xi32>
    %get3A_266 = arith.constant 352 : index
    %get3A_267 = tpu.vector_load %arg7[%get3A_266] {strides = array<i32>} : memref<1024xi32, #tpu.memory_space<vmem>>, vector<16xi32>,
    %and3A_268 = arith.constant 1 : i32
    %and3A_269 = vector.broadcast %and3A_268 : i32 to vector<16xi32>
    %and3A_270 = arith.andi %get3A_267, %and3A_269 : vector<16xi32>
    %shift_right_arithmetic3A_271 = arith.constant 1 : i32
    %shift_right_arithmetic3A_272 = vector.broadcast %shift_right_arithmetic3A_271 : i32 to vector<16xi32>
    %shift_right_arithmetic3A_273 = arith.shrsi %get3A_267, %shift_right_arithmetic3A_272 : vector<16xi32>
    %add3A_274 = arith.addi %add3A_262, %and3A_270 : vector<16xi32>
    %add3A_275 = arith.addi %add3A_263, %shift_right_arithmetic3A_273 : vector<16xi32>
    %and3A_276 = arith.andi %and3A_270, %shift_right_arithmetic3A_273 : vector<16xi32>
    %add3A_277 = arith.addi %add3A_265, %and3A_276 : vector<16xi32>
    %get3A_278 = arith.constant 368 : index
    %get3A_279 = tpu.vector_load %arg7[%get3A_278] {strides = array<i32>} : memref<1024xi32, #tpu.memory_space<vmem>>, vector<16xi32>,
    %and3A_280 = arith.constant 1 : i32
    %and3A_281 = vector.broadcast %and3A_280 : i32 to vector<16xi32>
    %and3A_282 = arith.andi %get3A_279, %and3A_281 : vector<16xi32>
    %shift_right_arithmetic3A_283 = arith.constant 1 : i32
    %shift_right_arithmetic3A_284 = vector.broadcast %shift_right_arithmetic3A_283 : i32 to vector<16xi32>
    %shift_right_arithmetic3A_285 = arith.shrsi %get3A_279, %shift_right_arithmetic3A_284 : vector<16xi32>
    %add3A_286 = arith.addi %add3A_274, %and3A_282 : vector<16xi32>
    %add3A_287 = arith.addi %add3A_275, %shift_right_arithmetic3A_285 : vector<16xi32>
    %and3A_288 = arith.andi %and3A_282, %shift_right_arithmetic3A_285 : vector<16xi32>
    %add3A_289 = arith.addi %add3A_277, %and3A_288 : vector<16xi32>
    %get3A_290 = arith.constant 384 : index
    %get3A_291 = tpu.vector_load %arg7[%get3A_290] {strides = array<i32>} : memref<1024xi32, #tpu.memory_space<vmem>>, vector<16xi32>,
    %and3A_292 = arith.constant 1 : i32
    %and3A_293 = vector.broadcast %and3A_292 : i32 to vector<16xi32>
    %and3A_294 = arith.andi %get3A_291, %and3A_293 : vector<16xi32>
    %shift_right_arithmetic3A_295 = arith.constant 1 : i32
    %shift_right_arithmetic3A_296 = vector.broadcast %shift_right_arithmetic3A_295 : i32 to vector<16xi32>
    %shift_right_arithmetic3A_297 = arith.shrsi %get3A_291, %shift_right_arithmetic3A_296 : vector<16xi32>
    %add3A_298 = arith.addi %add3A_286, %and3A_294 : vector<16xi32>
    %add3A_299 = arith.addi %add3A_287, %shift_right_arithmetic3A_297 : vector<16xi32>
    %and3A_300 = arith.andi %and3A_294, %shift_right_arithmetic3A_297 : vector<16xi32>
    %add3A_301 = arith.addi %add3A_289, %and3A_300 : vector<16xi32>
    %get3A_302 = arith.constant 400 : index
    %get3A_303 = tpu.vector_load %arg7[%get3A_302] {strides = array<i32>} : memref<1024xi32, #tpu.memory_space<vmem>>, vector<16xi32>,
    %and3A_304 = arith.constant 1 : i32
    %and3A_305 = vector.broadcast %and3A_304 : i32 to vector<16xi32>
    %and3A_306 = arith.andi %get3A_303, %and3A_305 : vector<16xi32>
    %shift_right_arithmetic3A_307 = arith.constant 1 : i32
    %shift_right_arithmetic3A_308 = vector.broadcast %shift_right_arithmetic3A_307 : i32 to vector<16xi32>
    %shift_right_arithmetic3A_309 = arith.shrsi %get3A_303, %shift_right_arithmetic3A_308 : vector<16xi32>
    %add3A_310 = arith.addi %add3A_298, %and3A_306 : vector<16xi32>
    %add3A_311 = arith.addi %add3A_299, %shift_right_arithmetic3A_309 : vector<16xi32>
    %and3A_312 = arith.andi %and3A_306, %shift_right_arithmetic3A_309 : vector<16xi32>
    %add3A_313 = arith.addi %add3A_301, %and3A_312 : vector<16xi32>
    %get3A_314 = arith.constant 416 : index
    %get3A_315 = tpu.vector_load %arg7[%get3A_314] {strides = array<i32>} : memref<1024xi32, #tpu.memory_space<vmem>>, vector<16xi32>,
    %and3A_316 = arith.constant 1 : i32
    %and3A_317 = vector.broadcast %and3A_316 : i32 to vector<16xi32>
    %and3A_318 = arith.andi %get3A_315, %and3A_317 : vector<16xi32>
    %shift_right_arithmetic3A_319 = arith.constant 1 : i32
    %shift_right_arithmetic3A_320 = vector.broadcast %shift_right_arithmetic3A_319 : i32 to vector<16xi32>
    %shift_right_arithmetic3A_321 = arith.shrsi %get3A_315, %shift_right_arithmetic3A_320 : vector<16xi32>
    %add3A_322 = arith.addi %add3A_310, %and3A_318 : vector<16xi32>
    %add3A_323 = arith.addi %add3A_311, %shift_right_arithmetic3A_321 : vector<16xi32>
    %and3A_324 = arith.andi %and3A_318, %shift_right_arithmetic3A_321 : vector<16xi32>
    %add3A_325 = arith.addi %add3A_313, %and3A_324 : vector<16xi32>
    %get3A_326 = arith.constant 432 : index
    %get3A_327 = tpu.vector_load %arg7[%get3A_326] {strides = array<i32>} : memref<1024xi32, #tpu.memory_space<vmem>>, vector<16xi32>,
    %and3A_328 = arith.constant 1 : i32
    %and3A_329 = vector.broadcast %and3A_328 : i32 to vector<16xi32>
    %and3A_330 = arith.andi %get3A_327, %and3A_329 : vector<16xi32>
    %shift_right_arithmetic3A_331 = arith.constant 1 : i32
    %shift_right_arithmetic3A_332 = vector.broadcast %shift_right_arithmetic3A_331 : i32 to vector<16xi32>
    %shift_right_arithmetic3A_333 = arith.shrsi %get3A_327, %shift_right_arithmetic3A_332 : vector<16xi32>
    %add3A_334 = arith.addi %add3A_322, %and3A_330 : vector<16xi32>
    %add3A_335 = arith.addi %add3A_323, %shift_right_arithmetic3A_333 : vector<16xi32>
    %and3A_336 = arith.andi %and3A_330, %shift_right_arithmetic3A_333 : vector<16xi32>
    %add3A_337 = arith.addi %add3A_325, %and3A_336 : vector<16xi32>
    %get3A_338 = arith.constant 448 : index
    %get3A_339 = tpu.vector_load %arg7[%get3A_338] {strides = array<i32>} : memref<1024xi32, #tpu.memory_space<vmem>>, vector<16xi32>,
    %and3A_340 = arith.constant 1 : i32
    %and3A_341 = vector.broadcast %and3A_340 : i32 to vector<16xi32>
    %and3A_342 = arith.andi %get3A_339, %and3A_341 : vector<16xi32>
    %shift_right_arithmetic3A_343 = arith.constant 1 : i32
    %shift_right_arithmetic3A_344 = vector.broadcast %shift_right_arithmetic3A_343 : i32 to vector<16xi32>
    %shift_right_arithmetic3A_345 = arith.shrsi %get3A_339, %shift_right_arithmetic3A_344 : vector<16xi32>
    %add3A_346 = arith.addi %add3A_334, %and3A_342 : vector<16xi32>
    %add3A_347 = arith.addi %add3A_335, %shift_right_arithmetic3A_345 : vector<16xi32>
    %and3A_348 = arith.andi %and3A_342, %shift_right_arithmetic3A_345 : vector<16xi32>
    %add3A_349 = arith.addi %add3A_337, %and3A_348 : vector<16xi32>
    %get3A_350 = arith.constant 464 : index
    %get3A_351 = tpu.vector_load %arg7[%get3A_350] {strides = array<i32>} : memref<1024xi32, #tpu.memory_space<vmem>>, vector<16xi32>,
    %and3A_352 = arith.constant 1 : i32
    %and3A_353 = vector.broadcast %and3A_352 : i32 to vector<16xi32>
    %and3A_354 = arith.andi %get3A_351, %and3A_353 : vector<16xi32>
    %shift_right_arithmetic3A_355 = arith.constant 1 : i32
    %shift_right_arithmetic3A_356 = vector.broadcast %shift_right_arithmetic3A_355 : i32 to vector<16xi32>
    %shift_right_arithmetic3A_357 = arith.shrsi %get3A_351, %shift_right_arithmetic3A_356 : vector<16xi32>
    %add3A_358 = arith.addi %add3A_346, %and3A_354 : vector<16xi32>
    %add3A_359 = arith.addi %add3A_347, %shift_right_arithmetic3A_357 : vector<16xi32>
    %and3A_360 = arith.andi %and3A_354, %shift_right_arithmetic3A_357 : vector<16xi32>
    %add3A_361 = arith.addi %add3A_349, %and3A_360 : vector<16xi32>
    %get3A_362 = arith.constant 480 : index
    %get3A_363 = tpu.vector_load %arg7[%get3A_362] {strides = array<i32>} : memref<1024xi32, #tpu.memory_space<vmem>>, vector<16xi32>,
    %and3A_364 = arith.constant 1 : i32
    %and3A_365 = vector.broadcast %and3A_364 : i32 to vector<16xi32>
    %and3A_366 = arith.andi %get3A_363, %and3A_365 : vector<16xi32>
    %shift_right_arithmetic3A_367 = arith.constant 1 : i32
    %shift_right_arithmetic3A_368 = vector.broadcast %shift_right_arithmetic3A_367 : i32 to vector<16xi32>
    %shift_right_arithmetic3A_369 = arith.shrsi %get3A_363, %shift_right_arithmetic3A_368 : vector<16xi32>
    %add3A_370 = arith.addi %add3A_358, %and3A_366 : vector<16xi32>
    %add3A_371 = arith.addi %add3A_359, %shift_right_arithmetic3A_369 : vector<16xi32>
    %and3A_372 = arith.andi %and3A_366, %shift_right_arithmetic3A_369 : vector<16xi32>
    %add3A_373 = arith.addi %add3A_361, %and3A_372 : vector<16xi32>
    %get3A_374 = arith.constant 496 : index
    %get3A_375 = tpu.vector_load %arg7[%get3A_374] {strides = array<i32>} : memref<1024xi32, #tpu.memory_space<vmem>>, vector<16xi32>,
    %and3A_376 = arith.constant 1 : i32
    %and3A_377 = vector.broadcast %and3A_376 : i32 to vector<16xi32>
    %and3A_378 = arith.andi %get3A_375, %and3A_377 : vector<16xi32>
    %shift_right_arithmetic3A_379 = arith.constant 1 : i32
    %shift_right_arithmetic3A_380 = vector.broadcast %shift_right_arithmetic3A_379 : i32 to vector<16xi32>
    %shift_right_arithmetic3A_381 = arith.shrsi %get3A_375, %shift_right_arithmetic3A_380 : vector<16xi32>
    %add3A_382 = arith.addi %add3A_370, %and3A_378 : vector<16xi32>
    %add3A_383 = arith.addi %add3A_371, %shift_right_arithmetic3A_381 : vector<16xi32>
    %and3A_384 = arith.andi %and3A_378, %shift_right_arithmetic3A_381 : vector<16xi32>
    %add3A_385 = arith.addi %add3A_373, %and3A_384 : vector<16xi32>
    %get3A_386 = arith.constant 512 : index
    %get3A_387 = tpu.vector_load %arg7[%get3A_386] {strides = array<i32>} : memref<1024xi32, #tpu.memory_space<vmem>>, vector<16xi32>,
    %and3A_388 = arith.constant 1 : i32
    %and3A_389 = vector.broadcast %and3A_388 : i32 to vector<16xi32>
    %and3A_390 = arith.andi %get3A_387, %and3A_389 : vector<16xi32>
    %shift_right_arithmetic3A_391 = arith.constant 1 : i32
    %shift_right_arithmetic3A_392 = vector.broadcast %shift_right_arithmetic3A_391 : i32 to vector<16xi32>
    %shift_right_arithmetic3A_393 = arith.shrsi %get3A_387, %shift_right_arithmetic3A_392 : vector<16xi32>
    %add3A_394 = arith.addi %add3A_382, %and3A_390 : vector<16xi32>
    %add3A_395 = arith.addi %add3A_383, %shift_right_arithmetic3A_393 : vector<16xi32>
    %and3A_396 = arith.andi %and3A_390, %shift_right_arithmetic3A_393 : vector<16xi32>
    %add3A_397 = arith.addi %add3A_385, %and3A_396 : vector<16xi32>
    %get3A_398 = arith.constant 528 : index
    %get3A_399 = tpu.vector_load %arg7[%get3A_398] {strides = array<i32>} : memref<1024xi32, #tpu.memory_space<vmem>>, vector<16xi32>,
    %and3A_400 = arith.constant 1 : i32
    %and3A_401 = vector.broadcast %and3A_400 : i32 to vector<16xi32>
    %and3A_402 = arith.andi %get3A_399, %and3A_401 : vector<16xi32>
    %shift_right_arithmetic3A_403 = arith.constant 1 : i32
    %shift_right_arithmetic3A_404 = vector.broadcast %shift_right_arithmetic3A_403 : i32 to vector<16xi32>
    %shift_right_arithmetic3A_405 = arith.shrsi %get3A_399, %shift_right_arithmetic3A_404 : vector<16xi32>
    %add3A_406 = arith.addi %add3A_394, %and3A_402 : vector<16xi32>
    %add3A_407 = arith.addi %add3A_395, %shift_right_arithmetic3A_405 : vector<16xi32>
    %and3A_408 = arith.andi %and3A_402, %shift_right_arithmetic3A_405 : vector<16xi32>
    %add3A_409 = arith.addi %add3A_397, %and3A_408 : vector<16xi32>
    %get3A_410 = arith.constant 544 : index
    %get3A_411 = tpu.vector_load %arg7[%get3A_410] {strides = array<i32>} : memref<1024xi32, #tpu.memory_space<vmem>>, vector<16xi32>,
    %and3A_412 = arith.constant 1 : i32
    %and3A_413 = vector.broadcast %and3A_412 : i32 to vector<16xi32>
    %and3A_414 = arith.andi %get3A_411, %and3A_413 : vector<16xi32>
    %shift_right_arithmetic3A_415 = arith.constant 1 : i32
    %shift_right_arithmetic3A_416 = vector.broadcast %shift_right_arithmetic3A_415 : i32 to vector<16xi32>
    %shift_right_arithmetic3A_417 = arith.shrsi %get3A_411, %shift_right_arithmetic3A_416 : vector<16xi32>
    %add3A_418 = arith.addi %add3A_406, %and3A_414 : vector<16xi32>
    %add3A_419 = arith.addi %add3A_407, %shift_right_arithmetic3A_417 : vector<16xi32>
    %and3A_420 = arith.andi %and3A_414, %shift_right_arithmetic3A_417 : vector<16xi32>
    %add3A_421 = arith.addi %add3A_409, %and3A_420 : vector<16xi32>
    %get3A_422 = arith.constant 560 : index
    %get3A_423 = tpu.vector_load %arg7[%get3A_422] {strides = array<i32>} : memref<1024xi32, #tpu.memory_space<vmem>>, vector<16xi32>,
    %and3A_424 = arith.constant 1 : i32
    %and3A_425 = vector.broadcast %and3A_424 : i32 to vector<16xi32>
    %and3A_426 = arith.andi %get3A_423, %and3A_425 : vector<16xi32>
    %shift_right_arithmetic3A_427 = arith.constant 1 : i32
    %shift_right_arithmetic3A_428 = vector.broadcast %shift_right_arithmetic3A_427 : i32 to vector<16xi32>
    %shift_right_arithmetic3A_429 = arith.shrsi %get3A_423, %shift_right_arithmetic3A_428 : vector<16xi32>
    %add3A_430 = arith.addi %add3A_418, %and3A_426 : vector<16xi32>
    %add3A_431 = arith.addi %add3A_419, %shift_right_arithmetic3A_429 : vector<16xi32>
    %and3A_432 = arith.andi %and3A_426, %shift_right_arithmetic3A_429 : vector<16xi32>
    %add3A_433 = arith.addi %add3A_421, %and3A_432 : vector<16xi32>
    %get3A_434 = arith.constant 576 : index
    %get3A_435 = tpu.vector_load %arg7[%get3A_434] {strides = array<i32>} : memref<1024xi32, #tpu.memory_space<vmem>>, vector<16xi32>,
    %and3A_436 = arith.constant 1 : i32
    %and3A_437 = vector.broadcast %and3A_436 : i32 to vector<16xi32>
    %and3A_438 = arith.andi %get3A_435, %and3A_437 : vector<16xi32>
    %shift_right_arithmetic3A_439 = arith.constant 1 : i32
    %shift_right_arithmetic3A_440 = vector.broadcast %shift_right_arithmetic3A_439 : i32 to vector<16xi32>
    %shift_right_arithmetic3A_441 = arith.shrsi %get3A_435, %shift_right_arithmetic3A_440 : vector<16xi32>
    %add3A_442 = arith.addi %add3A_430, %and3A_438 : vector<16xi32>
    %add3A_443 = arith.addi %add3A_431, %shift_right_arithmetic3A_441 : vector<16xi32>
    %and3A_444 = arith.andi %and3A_438, %shift_right_arithmetic3A_441 : vector<16xi32>
    %add3A_445 = arith.addi %add3A_433, %and3A_444 : vector<16xi32>
    %get3A_446 = arith.constant 592 : index
    %get3A_447 = tpu.vector_load %arg7[%get3A_446] {strides = array<i32>} : memref<1024xi32, #tpu.memory_space<vmem>>, vector<16xi32>,
    %and3A_448 = arith.constant 1 : i32
    %and3A_449 = vector.broadcast %and3A_448 : i32 to vector<16xi32>
    %and3A_450 = arith.andi %get3A_447, %and3A_449 : vector<16xi32>
    %shift_right_arithmetic3A_451 = arith.constant 1 : i32
    %shift_right_arithmetic3A_452 = vector.broadcast %shift_right_arithmetic3A_451 : i32 to vector<16xi32>
    %shift_right_arithmetic3A_453 = arith.shrsi %get3A_447, %shift_right_arithmetic3A_452 : vector<16xi32>
    %add3A_454 = arith.addi %add3A_442, %and3A_450 : vector<16xi32>
    %add3A_455 = arith.addi %add3A_443, %shift_right_arithmetic3A_453 : vector<16xi32>
    %and3A_456 = arith.andi %and3A_450, %shift_right_arithmetic3A_453 : vector<16xi32>
    %add3A_457 = arith.addi %add3A_445, %and3A_456 : vector<16xi32>
    %get3A_458 = arith.constant 608 : index
    %get3A_459 = tpu.vector_load %arg7[%get3A_458] {strides = array<i32>} : memref<1024xi32, #tpu.memory_space<vmem>>, vector<16xi32>,
    %and3A_460 = arith.constant 1 : i32
    %and3A_461 = vector.broadcast %and3A_460 : i32 to vector<16xi32>
    %and3A_462 = arith.andi %get3A_459, %and3A_461 : vector<16xi32>
    %shift_right_arithmetic3A_463 = arith.constant 1 : i32
    %shift_right_arithmetic3A_464 = vector.broadcast %shift_right_arithmetic3A_463 : i32 to vector<16xi32>
    %shift_right_arithmetic3A_465 = arith.shrsi %get3A_459, %shift_right_arithmetic3A_464 : vector<16xi32>
    %add3A_466 = arith.addi %add3A_454, %and3A_462 : vector<16xi32>
    %add3A_467 = arith.addi %add3A_455, %shift_right_arithmetic3A_465 : vector<16xi32>
    %and3A_468 = arith.andi %and3A_462, %shift_right_arithmetic3A_465 : vector<16xi32>
    %add3A_469 = arith.addi %add3A_457, %and3A_468 : vector<16xi32>
    %get3A_470 = arith.constant 624 : index
    %get3A_471 = tpu.vector_load %arg7[%get3A_470] {strides = array<i32>} : memref<1024xi32, #tpu.memory_space<vmem>>, vector<16xi32>,
    %and3A_472 = arith.constant 1 : i32
    %and3A_473 = vector.broadcast %and3A_472 : i32 to vector<16xi32>
    %and3A_474 = arith.andi %get3A_471, %and3A_473 : vector<16xi32>
    %shift_right_arithmetic3A_475 = arith.constant 1 : i32
    %shift_right_arithmetic3A_476 = vector.broadcast %shift_right_arithmetic3A_475 : i32 to vector<16xi32>
    %shift_right_arithmetic3A_477 = arith.shrsi %get3A_471, %shift_right_arithmetic3A_476 : vector<16xi32>
    %add3A_478 = arith.addi %add3A_466, %and3A_474 : vector<16xi32>
    %add3A_479 = arith.addi %add3A_467, %shift_right_arithmetic3A_477 : vector<16xi32>
    %and3A_480 = arith.andi %and3A_474, %shift_right_arithmetic3A_477 : vector<16xi32>
    %add3A_481 = arith.addi %add3A_469, %and3A_480 : vector<16xi32>
    %get3A_482 = arith.constant 640 : index
    %get3A_483 = tpu.vector_load %arg7[%get3A_482] {strides = array<i32>} : memref<1024xi32, #tpu.memory_space<vmem>>, vector<16xi32>,
    %and3A_484 = arith.constant 1 : i32
    %and3A_485 = vector.broadcast %and3A_484 : i32 to vector<16xi32>
    %and3A_486 = arith.andi %get3A_483, %and3A_485 : vector<16xi32>
    %shift_right_arithmetic3A_487 = arith.constant 1 : i32
    %shift_right_arithmetic3A_488 = vector.broadcast %shift_right_arithmetic3A_487 : i32 to vector<16xi32>
    %shift_right_arithmetic3A_489 = arith.shrsi %get3A_483, %shift_right_arithmetic3A_488 : vector<16xi32>
    %add3A_490 = arith.addi %add3A_478, %and3A_486 : vector<16xi32>
    %add3A_491 = arith.addi %add3A_479, %shift_right_arithmetic3A_489 : vector<16xi32>
    %and3A_492 = arith.andi %and3A_486, %shift_right_arithmetic3A_489 : vector<16xi32>
    %add3A_493 = arith.addi %add3A_481, %and3A_492 : vector<16xi32>
    %get3A_494 = arith.constant 656 : index
    %get3A_495 = tpu.vector_load %arg7[%get3A_494] {strides = array<i32>} : memref<1024xi32, #tpu.memory_space<vmem>>, vector<16xi32>,
    %and3A_496 = arith.constant 1 : i32
    %and3A_497 = vector.broadcast %and3A_496 : i32 to vector<16xi32>
    %and3A_498 = arith.andi %get3A_495, %and3A_497 : vector<16xi32>
    %shift_right_arithmetic3A_499 = arith.constant 1 : i32
    %shift_right_arithmetic3A_500 = vector.broadcast %shift_right_arithmetic3A_499 : i32 to vector<16xi32>
    %shift_right_arithmetic3A_501 = arith.shrsi %get3A_495, %shift_right_arithmetic3A_500 : vector<16xi32>
    %add3A_502 = arith.addi %add3A_490, %and3A_498 : vector<16xi32>
    %add3A_503 = arith.addi %add3A_491, %shift_right_arithmetic3A_501 : vector<16xi32>
    %and3A_504 = arith.andi %and3A_498, %shift_right_arithmetic3A_501 : vector<16xi32>
    %add3A_505 = arith.addi %add3A_493, %and3A_504 : vector<16xi32>
    %get3A_506 = arith.constant 672 : index
    %get3A_507 = tpu.vector_load %arg7[%get3A_506] {strides = array<i32>} : memref<1024xi32, #tpu.memory_space<vmem>>, vector<16xi32>,
    %and3A_508 = arith.constant 1 : i32
    %and3A_509 = vector.broadcast %and3A_508 : i32 to vector<16xi32>
    %and3A_510 = arith.andi %get3A_507, %and3A_509 : vector<16xi32>
    %shift_right_arithmetic3A_511 = arith.constant 1 : i32
    %shift_right_arithmetic3A_512 = vector.broadcast %shift_right_arithmetic3A_511 : i32 to vector<16xi32>
    %shift_right_arithmetic3A_513 = arith.shrsi %get3A_507, %shift_right_arithmetic3A_512 : vector<16xi32>
    %add3A_514 = arith.addi %add3A_502, %and3A_510 : vector<16xi32>
    %add3A_515 = arith.addi %add3A_503, %shift_right_arithmetic3A_513 : vector<16xi32>
    %and3A_516 = arith.andi %and3A_510, %shift_right_arithmetic3A_513 : vector<16xi32>
    %add3A_517 = arith.addi %add3A_505, %and3A_516 : vector<16xi32>
    %get3A_518 = arith.constant 688 : index
    %get3A_519 = tpu.vector_load %arg7[%get3A_518] {strides = array<i32>} : memref<1024xi32, #tpu.memory_space<vmem>>, vector<16xi32>,
    %and3A_520 = arith.constant 1 : i32
    %and3A_521 = vector.broadcast %and3A_520 : i32 to vector<16xi32>
    %and3A_522 = arith.andi %get3A_519, %and3A_521 : vector<16xi32>
    %shift_right_arithmetic3A_523 = arith.constant 1 : i32
    %shift_right_arithmetic3A_524 = vector.broadcast %shift_right_arithmetic3A_523 : i32 to vector<16xi32>
    %shift_right_arithmetic3A_525 = arith.shrsi %get3A_519, %shift_right_arithmetic3A_524 : vector<16xi32>
    %add3A_526 = arith.addi %add3A_514, %and3A_522 : vector<16xi32>
    %add3A_527 = arith.addi %add3A_515, %shift_right_arithmetic3A_525 : vector<16xi32>
    %and3A_528 = arith.andi %and3A_522, %shift_right_arithmetic3A_525 : vector<16xi32>
    %add3A_529 = arith.addi %add3A_517, %and3A_528 : vector<16xi32>
    %get3A_530 = arith.constant 704 : index
    %get3A_531 = tpu.vector_load %arg7[%get3A_530] {strides = array<i32>} : memref<1024xi32, #tpu.memory_space<vmem>>, vector<16xi32>,
    %and3A_532 = arith.constant 1 : i32
    %and3A_533 = vector.broadcast %and3A_532 : i32 to vector<16xi32>
    %and3A_534 = arith.andi %get3A_531, %and3A_533 : vector<16xi32>
    %shift_right_arithmetic3A_535 = arith.constant 1 : i32
    %shift_right_arithmetic3A_536 = vector.broadcast %shift_right_arithmetic3A_535 : i32 to vector<16xi32>
    %shift_right_arithmetic3A_537 = arith.shrsi %get3A_531, %shift_right_arithmetic3A_536 : vector<16xi32>
    %add3A_538 = arith.addi %add3A_526, %and3A_534 : vector<16xi32>
    %add3A_539 = arith.addi %add3A_527, %shift_right_arithmetic3A_537 : vector<16xi32>
    %and3A_540 = arith.andi %and3A_534, %shift_right_arithmetic3A_537 : vector<16xi32>
    %add3A_541 = arith.addi %add3A_529, %and3A_540 : vector<16xi32>
    %get3A_542 = arith.constant 720 : index
    %get3A_543 = tpu.vector_load %arg7[%get3A_542] {strides = array<i32>} : memref<1024xi32, #tpu.memory_space<vmem>>, vector<16xi32>,
    %and3A_544 = arith.constant 1 : i32
    %and3A_545 = vector.broadcast %and3A_544 : i32 to vector<16xi32>
    %and3A_546 = arith.andi %get3A_543, %and3A_545 : vector<16xi32>
    %shift_right_arithmetic3A_547 = arith.constant 1 : i32
    %shift_right_arithmetic3A_548 = vector.broadcast %shift_right_arithmetic3A_547 : i32 to vector<16xi32>
    %shift_right_arithmetic3A_549 = arith.shrsi %get3A_543, %shift_right_arithmetic3A_548 : vector<16xi32>
    %add3A_550 = arith.addi %add3A_538, %and3A_546 : vector<16xi32>
    %add3A_551 = arith.addi %add3A_539, %shift_right_arithmetic3A_549 : vector<16xi32>
    %and3A_552 = arith.andi %and3A_546, %shift_right_arithmetic3A_549 : vector<16xi32>
    %add3A_553 = arith.addi %add3A_541, %and3A_552 : vector<16xi32>
    %get3A_554 = arith.constant 736 : index
    %get3A_555 = tpu.vector_load %arg7[%get3A_554] {strides = array<i32>} : memref<1024xi32, #tpu.memory_space<vmem>>, vector<16xi32>,
    %and3A_556 = arith.constant 1 : i32
    %and3A_557 = vector.broadcast %and3A_556 : i32 to vector<16xi32>
    %and3A_558 = arith.andi %get3A_555, %and3A_557 : vector<16xi32>
    %shift_right_arithmetic3A_559 = arith.constant 1 : i32
    %shift_right_arithmetic3A_560 = vector.broadcast %shift_right_arithmetic3A_559 : i32 to vector<16xi32>
    %shift_right_arithmetic3A_561 = arith.shrsi %get3A_555, %shift_right_arithmetic3A_560 : vector<16xi32>
    %add3A_562 = arith.addi %add3A_550, %and3A_558 : vector<16xi32>
    %add3A_563 = arith.addi %add3A_551, %shift_right_arithmetic3A_561 : vector<16xi32>
    %and3A_564 = arith.andi %and3A_558, %shift_right_arithmetic3A_561 : vector<16xi32>
    %add3A_565 = arith.addi %add3A_553, %and3A_564 : vector<16xi32>
    %get3A_566 = arith.constant 752 : index
    %get3A_567 = tpu.vector_load %arg7[%get3A_566] {strides = array<i32>} : memref<1024xi32, #tpu.memory_space<vmem>>, vector<16xi32>,
    %and3A_568 = arith.constant 1 : i32
    %and3A_569 = vector.broadcast %and3A_568 : i32 to vector<16xi32>
    %and3A_570 = arith.andi %get3A_567, %and3A_569 : vector<16xi32>
    %shift_right_arithmetic3A_571 = arith.constant 1 : i32
    %shift_right_arithmetic3A_572 = vector.broadcast %shift_right_arithmetic3A_571 : i32 to vector<16xi32>
    %shift_right_arithmetic3A_573 = arith.shrsi %get3A_567, %shift_right_arithmetic3A_572 : vector<16xi32>
    %add3A_574 = arith.addi %add3A_562, %and3A_570 : vector<16xi32>
    %add3A_575 = arith.addi %add3A_563, %shift_right_arithmetic3A_573 : vector<16xi32>
    %and3A_576 = arith.andi %and3A_570, %shift_right_arithmetic3A_573 : vector<16xi32>
    %add3A_577 = arith.addi %add3A_565, %and3A_576 : vector<16xi32>
    %get3A_578 = arith.constant 768 : index
    %get3A_579 = tpu.vector_load %arg7[%get3A_578] {strides = array<i32>} : memref<1024xi32, #tpu.memory_space<vmem>>, vector<16xi32>,
    %and3A_580 = arith.constant 1 : i32
    %and3A_581 = vector.broadcast %and3A_580 : i32 to vector<16xi32>
    %and3A_582 = arith.andi %get3A_579, %and3A_581 : vector<16xi32>
    %shift_right_arithmetic3A_583 = arith.constant 1 : i32
    %shift_right_arithmetic3A_584 = vector.broadcast %shift_right_arithmetic3A_583 : i32 to vector<16xi32>
    %shift_right_arithmetic3A_585 = arith.shrsi %get3A_579, %shift_right_arithmetic3A_584 : vector<16xi32>
    %add3A_586 = arith.addi %add3A_574, %and3A_582 : vector<16xi32>
    %add3A_587 = arith.addi %add3A_575, %shift_right_arithmetic3A_585 : vector<16xi32>
    %and3A_588 = arith.andi %and3A_582, %shift_right_arithmetic3A_585 : vector<16xi32>
    %add3A_589 = arith.addi %add3A_577, %and3A_588 : vector<16xi32>
    %get3A_590 = arith.constant 784 : index
    %get3A_591 = tpu.vector_load %arg7[%get3A_590] {strides = array<i32>} : memref<1024xi32, #tpu.memory_space<vmem>>, vector<16xi32>,
    %and3A_592 = arith.constant 1 : i32
    %and3A_593 = vector.broadcast %and3A_592 : i32 to vector<16xi32>
    %and3A_594 = arith.andi %get3A_591, %and3A_593 : vector<16xi32>
    %shift_right_arithmetic3A_595 = arith.constant 1 : i32
    %shift_right_arithmetic3A_596 = vector.broadcast %shift_right_arithmetic3A_595 : i32 to vector<16xi32>
    %shift_right_arithmetic3A_597 = arith.shrsi %get3A_591, %shift_right_arithmetic3A_596 : vector<16xi32>
    %add3A_598 = arith.addi %add3A_586, %and3A_594 : vector<16xi32>
    %add3A_599 = arith.addi %add3A_587, %shift_right_arithmetic3A_597 : vector<16xi32>
    %and3A_600 = arith.andi %and3A_594, %shift_right_arithmetic3A_597 : vector<16xi32>
    %add3A_601 = arith.addi %add3A_589, %and3A_600 : vector<16xi32>
    %get3A_602 = arith.constant 800 : index
    %get3A_603 = tpu.vector_load %arg7[%get3A_602] {strides = array<i32>} : memref<1024xi32, #tpu.memory_space<vmem>>, vector<16xi32>,
    %and3A_604 = arith.constant 1 : i32
    %and3A_605 = vector.broadcast %and3A_604 : i32 to vector<16xi32>
    %and3A_606 = arith.andi %get3A_603, %and3A_605 : vector<16xi32>
    %shift_right_arithmetic3A_607 = arith.constant 1 : i32
    %shift_right_arithmetic3A_608 = vector.broadcast %shift_right_arithmetic3A_607 : i32 to vector<16xi32>
    %shift_right_arithmetic3A_609 = arith.shrsi %get3A_603, %shift_right_arithmetic3A_608 : vector<16xi32>
    %add3A_610 = arith.addi %add3A_598, %and3A_606 : vector<16xi32>
    %add3A_611 = arith.addi %add3A_599, %shift_right_arithmetic3A_609 : vector<16xi32>
    %and3A_612 = arith.andi %and3A_606, %shift_right_arithmetic3A_609 : vector<16xi32>
    %add3A_613 = arith.addi %add3A_601, %and3A_612 : vector<16xi32>
    %get3A_614 = arith.constant 816 : index
    %get3A_615 = tpu.vector_load %arg7[%get3A_614] {strides = array<i32>} : memref<1024xi32, #tpu.memory_space<vmem>>, vector<16xi32>,
    %and3A_616 = arith.constant 1 : i32
    %and3A_617 = vector.broadcast %and3A_616 : i32 to vector<16xi32>
    %and3A_618 = arith.andi %get3A_615, %and3A_617 : vector<16xi32>
    %shift_right_arithmetic3A_619 = arith.constant 1 : i32
    %shift_right_arithmetic3A_620 = vector.broadcast %shift_right_arithmetic3A_619 : i32 to vector<16xi32>
    %shift_right_arithmetic3A_621 = arith.shrsi %get3A_615, %shift_right_arithmetic3A_620 : vector<16xi32>
    %add3A_622 = arith.addi %add3A_610, %and3A_618 : vector<16xi32>
    %add3A_623 = arith.addi %add3A_611, %shift_right_arithmetic3A_621 : vector<16xi32>
    %and3A_624 = arith.andi %and3A_618, %shift_right_arithmetic3A_621 : vector<16xi32>
    %add3A_625 = arith.addi %add3A_613, %and3A_624 : vector<16xi32>
    %get3A_626 = arith.constant 832 : index
    %get3A_627 = tpu.vector_load %arg7[%get3A_626] {strides = array<i32>} : memref<1024xi32, #tpu.memory_space<vmem>>, vector<16xi32>,
    %and3A_628 = arith.constant 1 : i32
    %and3A_629 = vector.broadcast %and3A_628 : i32 to vector<16xi32>
    %and3A_630 = arith.andi %get3A_627, %and3A_629 : vector<16xi32>
    %shift_right_arithmetic3A_631 = arith.constant 1 : i32
    %shift_right_arithmetic3A_632 = vector.broadcast %shift_right_arithmetic3A_631 : i32 to vector<16xi32>
    %shift_right_arithmetic3A_633 = arith.shrsi %get3A_627, %shift_right_arithmetic3A_632 : vector<16xi32>
    %add3A_634 = arith.addi %add3A_622, %and3A_630 : vector<16xi32>
    %add3A_635 = arith.addi %add3A_623, %shift_right_arithmetic3A_633 : vector<16xi32>
    %and3A_636 = arith.andi %and3A_630, %shift_right_arithmetic3A_633 : vector<16xi32>
    %add3A_637 = arith.addi %add3A_625, %and3A_636 : vector<16xi32>
    %get3A_638 = arith.constant 848 : index
    %get3A_639 = tpu.vector_load %arg7[%get3A_638] {strides = array<i32>} : memref<1024xi32, #tpu.memory_space<vmem>>, vector<16xi32>,
    %and3A_640 = arith.constant 1 : i32
    %and3A_641 = vector.broadcast %and3A_640 : i32 to vector<16xi32>
    %and3A_642 = arith.andi %get3A_639, %and3A_641 : vector<16xi32>
    %shift_right_arithmetic3A_643 = arith.constant 1 : i32
    %shift_right_arithmetic3A_644 = vector.broadcast %shift_right_arithmetic3A_643 : i32 to vector<16xi32>
    %shift_right_arithmetic3A_645 = arith.shrsi %get3A_639, %shift_right_arithmetic3A_644 : vector<16xi32>
    %add3A_646 = arith.addi %add3A_634, %and3A_642 : vector<16xi32>
    %add3A_647 = arith.addi %add3A_635, %shift_right_arithmetic3A_645 : vector<16xi32>
    %and3A_648 = arith.andi %and3A_642, %shift_right_arithmetic3A_645 : vector<16xi32>
    %add3A_649 = arith.addi %add3A_637, %and3A_648 : vector<16xi32>
    %get3A_650 = arith.constant 864 : index
    %get3A_651 = tpu.vector_load %arg7[%get3A_650] {strides = array<i32>} : memref<1024xi32, #tpu.memory_space<vmem>>, vector<16xi32>,
    %and3A_652 = arith.constant 1 : i32
    %and3A_653 = vector.broadcast %and3A_652 : i32 to vector<16xi32>
    %and3A_654 = arith.andi %get3A_651, %and3A_653 : vector<16xi32>
    %shift_right_arithmetic3A_655 = arith.constant 1 : i32
    %shift_right_arithmetic3A_656 = vector.broadcast %shift_right_arithmetic3A_655 : i32 to vector<16xi32>
    %shift_right_arithmetic3A_657 = arith.shrsi %get3A_651, %shift_right_arithmetic3A_656 : vector<16xi32>
    %add3A_658 = arith.addi %add3A_646, %and3A_654 : vector<16xi32>
    %add3A_659 = arith.addi %add3A_647, %shift_right_arithmetic3A_657 : vector<16xi32>
    %and3A_660 = arith.andi %and3A_654, %shift_right_arithmetic3A_657 : vector<16xi32>
    %add3A_661 = arith.addi %add3A_649, %and3A_660 : vector<16xi32>
    %get3A_662 = arith.constant 880 : index
    %get3A_663 = tpu.vector_load %arg7[%get3A_662] {strides = array<i32>} : memref<1024xi32, #tpu.memory_space<vmem>>, vector<16xi32>,
    %and3A_664 = arith.constant 1 : i32
    %and3A_665 = vector.broadcast %and3A_664 : i32 to vector<16xi32>
    %and3A_666 = arith.andi %get3A_663, %and3A_665 : vector<16xi32>
    %shift_right_arithmetic3A_667 = arith.constant 1 : i32
    %shift_right_arithmetic3A_668 = vector.broadcast %shift_right_arithmetic3A_667 : i32 to vector<16xi32>
    %shift_right_arithmetic3A_669 = arith.shrsi %get3A_663, %shift_right_arithmetic3A_668 : vector<16xi32>
    %add3A_670 = arith.addi %add3A_658, %and3A_666 : vector<16xi32>
    %add3A_671 = arith.addi %add3A_659, %shift_right_arithmetic3A_669 : vector<16xi32>
    %and3A_672 = arith.andi %and3A_666, %shift_right_arithmetic3A_669 : vector<16xi32>
    %add3A_673 = arith.addi %add3A_661, %and3A_672 : vector<16xi32>
    %get3A_674 = arith.constant 896 : index
    %get3A_675 = tpu.vector_load %arg7[%get3A_674] {strides = array<i32>} : memref<1024xi32, #tpu.memory_space<vmem>>, vector<16xi32>,
    %and3A_676 = arith.constant 1 : i32
    %and3A_677 = vector.broadcast %and3A_676 : i32 to vector<16xi32>
    %and3A_678 = arith.andi %get3A_675, %and3A_677 : vector<16xi32>
    %shift_right_arithmetic3A_679 = arith.constant 1 : i32
    %shift_right_arithmetic3A_680 = vector.broadcast %shift_right_arithmetic3A_679 : i32 to vector<16xi32>
    %shift_right_arithmetic3A_681 = arith.shrsi %get3A_675, %shift_right_arithmetic3A_680 : vector<16xi32>
    %add3A_682 = arith.addi %add3A_670, %and3A_678 : vector<16xi32>
    %add3A_683 = arith.addi %add3A_671, %shift_right_arithmetic3A_681 : vector<16xi32>
    %and3A_684 = arith.andi %and3A_678, %shift_right_arithmetic3A_681 : vector<16xi32>
    %add3A_685 = arith.addi %add3A_673, %and3A_684 : vector<16xi32>
    %get3A_686 = arith.constant 912 : index
    %get3A_687 = tpu.vector_load %arg7[%get3A_686] {strides = array<i32>} : memref<1024xi32, #tpu.memory_space<vmem>>, vector<16xi32>,
    %and3A_688 = arith.constant 1 : i32
    %and3A_689 = vector.broadcast %and3A_688 : i32 to vector<16xi32>
    %and3A_690 = arith.andi %get3A_687, %and3A_689 : vector<16xi32>
    %shift_right_arithmetic3A_691 = arith.constant 1 : i32
    %shift_right_arithmetic3A_692 = vector.broadcast %shift_right_arithmetic3A_691 : i32 to vector<16xi32>
    %shift_right_arithmetic3A_693 = arith.shrsi %get3A_687, %shift_right_arithmetic3A_692 : vector<16xi32>
    %add3A_694 = arith.addi %add3A_682, %and3A_690 : vector<16xi32>
    %add3A_695 = arith.addi %add3A_683, %shift_right_arithmetic3A_693 : vector<16xi32>
    %and3A_696 = arith.andi %and3A_690, %shift_right_arithmetic3A_693 : vector<16xi32>
    %add3A_697 = arith.addi %add3A_685, %and3A_696 : vector<16xi32>
    %get3A_698 = arith.constant 928 : index
    %get3A_699 = tpu.vector_load %arg7[%get3A_698] {strides = array<i32>} : memref<1024xi32, #tpu.memory_space<vmem>>, vector<16xi32>,
    %and3A_700 = arith.constant 1 : i32
    %and3A_701 = vector.broadcast %and3A_700 : i32 to vector<16xi32>
    %and3A_702 = arith.andi %get3A_699, %and3A_701 : vector<16xi32>
    %shift_right_arithmetic3A_703 = arith.constant 1 : i32
    %shift_right_arithmetic3A_704 = vector.broadcast %shift_right_arithmetic3A_703 : i32 to vector<16xi32>
    %shift_right_arithmetic3A_705 = arith.shrsi %get3A_699, %shift_right_arithmetic3A_704 : vector<16xi32>
    %add3A_706 = arith.addi %add3A_694, %and3A_702 : vector<16xi32>
    %add3A_707 = arith.addi %add3A_695, %shift_right_arithmetic3A_705 : vector<16xi32>
    %and3A_708 = arith.andi %and3A_702, %shift_right_arithmetic3A_705 : vector<16xi32>
    %add3A_709 = arith.addi %add3A_697, %and3A_708 : vector<16xi32>
    %get3A_710 = arith.constant 944 : index
    %get3A_711 = tpu.vector_load %arg7[%get3A_710] {strides = array<i32>} : memref<1024xi32, #tpu.memory_space<vmem>>, vector<16xi32>,
    %and3A_712 = arith.constant 1 : i32
    %and3A_713 = vector.broadcast %and3A_712 : i32 to vector<16xi32>
    %and3A_714 = arith.andi %get3A_711, %and3A_713 : vector<16xi32>
    %shift_right_arithmetic3A_715 = arith.constant 1 : i32
    %shift_right_arithmetic3A_716 = vector.broadcast %shift_right_arithmetic3A_715 : i32 to vector<16xi32>
    %shift_right_arithmetic3A_717 = arith.shrsi %get3A_711, %shift_right_arithmetic3A_716 : vector<16xi32>
    %add3A_718 = arith.addi %add3A_706, %and3A_714 : vector<16xi32>
    %add3A_719 = arith.addi %add3A_707, %shift_right_arithmetic3A_717 : vector<16xi32>
    %and3A_720 = arith.andi %and3A_714, %shift_right_arithmetic3A_717 : vector<16xi32>
    %add3A_721 = arith.addi %add3A_709, %and3A_720 : vector<16xi32>
    %get3A_722 = arith.constant 960 : index
    %get3A_723 = tpu.vector_load %arg7[%get3A_722] {strides = array<i32>} : memref<1024xi32, #tpu.memory_space<vmem>>, vector<16xi32>,
    %and3A_724 = arith.constant 1 : i32
    %and3A_725 = vector.broadcast %and3A_724 : i32 to vector<16xi32>
    %and3A_726 = arith.andi %get3A_723, %and3A_725 : vector<16xi32>
    %shift_right_arithmetic3A_727 = arith.constant 1 : i32
    %shift_right_arithmetic3A_728 = vector.broadcast %shift_right_arithmetic3A_727 : i32 to vector<16xi32>
    %shift_right_arithmetic3A_729 = arith.shrsi %get3A_723, %shift_right_arithmetic3A_728 : vector<16xi32>
    %add3A_730 = arith.addi %add3A_718, %and3A_726 : vector<16xi32>
    %add3A_731 = arith.addi %add3A_719, %shift_right_arithmetic3A_729 : vector<16xi32>
    %and3A_732 = arith.andi %and3A_726, %shift_right_arithmetic3A_729 : vector<16xi32>
    %add3A_733 = arith.addi %add3A_721, %and3A_732 : vector<16xi32>
    %get3A_734 = arith.constant 976 : index
    %get3A_735 = tpu.vector_load %arg7[%get3A_734] {strides = array<i32>} : memref<1024xi32, #tpu.memory_space<vmem>>, vector<16xi32>,
    %and3A_736 = arith.constant 1 : i32
    %and3A_737 = vector.broadcast %and3A_736 : i32 to vector<16xi32>
    %and3A_738 = arith.andi %get3A_735, %and3A_737 : vector<16xi32>
    %shift_right_arithmetic3A_739 = arith.constant 1 : i32
    %shift_right_arithmetic3A_740 = vector.broadcast %shift_right_arithmetic3A_739 : i32 to vector<16xi32>
    %shift_right_arithmetic3A_741 = arith.shrsi %get3A_735, %shift_right_arithmetic3A_740 : vector<16xi32>
    %add3A_742 = arith.addi %add3A_730, %and3A_738 : vector<16xi32>
    %add3A_743 = arith.addi %add3A_731, %shift_right_arithmetic3A_741 : vector<16xi32>
    %and3A_744 = arith.andi %and3A_738, %shift_right_arithmetic3A_741 : vector<16xi32>
    %add3A_745 = arith.addi %add3A_733, %and3A_744 : vector<16xi32>
    %get3A_746 = arith.constant 992 : index
    %get3A_747 = tpu.vector_load %arg7[%get3A_746] {strides = array<i32>} : memref<1024xi32, #tpu.memory_space<vmem>>, vector<16xi32>,
    %and3A_748 = arith.constant 1 : i32
    %and3A_749 = vector.broadcast %and3A_748 : i32 to vector<16xi32>
    %and3A_750 = arith.andi %get3A_747, %and3A_749 : vector<16xi32>
    %shift_right_arithmetic3A_751 = arith.constant 1 : i32
    %shift_right_arithmetic3A_752 = vector.broadcast %shift_right_arithmetic3A_751 : i32 to vector<16xi32>
    %shift_right_arithmetic3A_753 = arith.shrsi %get3A_747, %shift_right_arithmetic3A_752 : vector<16xi32>
    %add3A_754 = arith.addi %add3A_742, %and3A_750 : vector<16xi32>
    %add3A_755 = arith.addi %add3A_743, %shift_right_arithmetic3A_753 : vector<16xi32>
    %and3A_756 = arith.andi %and3A_750, %shift_right_arithmetic3A_753 : vector<16xi32>
    %add3A_757 = arith.addi %add3A_745, %and3A_756 : vector<16xi32>
    %get3A_758 = arith.constant 1008 : index
    %get3A_759 = tpu.vector_load %arg7[%get3A_758] {strides = array<i32>} : memref<1024xi32, #tpu.memory_space<vmem>>, vector<16xi32>,
    %and3A_760 = arith.constant 1 : i32
    %and3A_761 = vector.broadcast %and3A_760 : i32 to vector<16xi32>
    %and3A_762 = arith.andi %get3A_759, %and3A_761 : vector<16xi32>
    %shift_right_arithmetic3A_763 = arith.constant 1 : i32
    %shift_right_arithmetic3A_764 = vector.broadcast %shift_right_arithmetic3A_763 : i32 to vector<16xi32>
    %shift_right_arithmetic3A_765 = arith.shrsi %get3A_759, %shift_right_arithmetic3A_764 : vector<16xi32>
    %add3A_766 = arith.addi %add3A_754, %and3A_762 : vector<16xi32>
    %add3A_767 = arith.addi %add3A_755, %shift_right_arithmetic3A_765 : vector<16xi32>
    %and3A_768 = arith.andi %and3A_762, %shift_right_arithmetic3A_765 : vector<16xi32>
    %add3A_769 = arith.addi %add3A_757, %and3A_768 : vector<16xi32>
    %iota3A = tpu.iota {dimensions = array<i32: 0>} : vector<16xi32>
    %shift_left3A = arith.constant 16 : i32
    %shift_left3A_770 = vector.broadcast %shift_left3A : i32 to vector<16xi32>
    %shift_left3A_771 = arith.shli %add3A_769, %shift_left3A_770 : vector<16xi32>
    %add3A_772 = arith.addi %add3A_766, %shift_left3A_771 : vector<16xi32>
    %swap3A = arith.constant 0 : index
    %swap3A_773 = tpu.vector_load %arg14[%swap3A] {strides = array<i32>} : memref<16xi32, #tpu.memory_space<vmem>>, vector<16xi32>,
    tpu.vector_store %arg14[%swap3A], %add3A_772 {strides = array<i32>} : memref<16xi32, #tpu.memory_space<vmem>>, vector<16xi32>,
    %swap3A_774 = arith.constant 0 : index
    %swap3A_775 = tpu.vector_load %arg15[%swap3A_774] {strides = array<i32>} : memref<16xi32, #tpu.memory_space<vmem>>, vector<16xi32>,
    tpu.vector_store %arg15[%swap3A_774], %add3A_767 {strides = array<i32>} : memref<16xi32, #tpu.memory_space<vmem>>, vector<16xi32>,
    %xor3A = arith.constant 8 : i32
    %xor3A_776 = vector.broadcast %xor3A : i32 to vector<16xi32>
    %xor3A_777 = arith.xori %iota3A, %xor3A_776 : vector<16xi32>
    %gather3A = tpu.vector_load_idx %arg14[%xor3A_777] : memref<16xi32, #tpu.memory_space<vmem>>[vector<16xi32>], vector<16xi32>,
    %add3A_778 = arith.addi %add3A_772, %gather3A : vector<16xi32>
    %xor3A_779 = arith.constant 8 : i32
    %xor3A_780 = vector.broadcast %xor3A_779 : i32 to vector<16xi32>
    %xor3A_781 = arith.xori %iota3A, %xor3A_780 : vector<16xi32>
    %gather3A_782 = tpu.vector_load_idx %arg15[%xor3A_781] : memref<16xi32, #tpu.memory_space<vmem>>[vector<16xi32>], vector<16xi32>,
    %add3A_783 = arith.addi %add3A_767, %gather3A_782 : vector<16xi32>
    %swap3A_784 = arith.constant 0 : index
    %swap3A_785 = tpu.vector_load %arg14[%swap3A_784] {strides = array<i32>} : memref<16xi32, #tpu.memory_space<vmem>>, vector<16xi32>,
    tpu.vector_store %arg14[%swap3A_784], %add3A_778 {strides = array<i32>} : memref<16xi32, #tpu.memory_space<vmem>>, vector<16xi32>,
    %swap3A_786 = arith.constant 0 : index
    %swap3A_787 = tpu.vector_load %arg15[%swap3A_786] {strides = array<i32>} : memref<16xi32, #tpu.memory_space<vmem>>, vector<16xi32>,
    tpu.vector_store %arg15[%swap3A_786], %add3A_783 {strides = array<i32>} : memref<16xi32, #tpu.memory_space<vmem>>, vector<16xi32>,
    %xor3A_788 = arith.constant 4 : i32
    %xor3A_789 = vector.broadcast %xor3A_788 : i32 to vector<16xi32>
    %xor3A_790 = arith.xori %iota3A, %xor3A_789 : vector<16xi32>
    %gather3A_791 = tpu.vector_load_idx %arg14[%xor3A_790] : memref<16xi32, #tpu.memory_space<vmem>>[vector<16xi32>], vector<16xi32>,
    %add3A_792 = arith.addi %add3A_778, %gather3A_791 : vector<16xi32>
    %xor3A_793 = arith.constant 4 : i32
    %xor3A_794 = vector.broadcast %xor3A_793 : i32 to vector<16xi32>
    %xor3A_795 = arith.xori %iota3A, %xor3A_794 : vector<16xi32>
    %gather3A_796 = tpu.vector_load_idx %arg15[%xor3A_795] : memref<16xi32, #tpu.memory_space<vmem>>[vector<16xi32>], vector<16xi32>,
    %add3A_797 = arith.addi %add3A_783, %gather3A_796 : vector<16xi32>
    %swap3A_798 = arith.constant 0 : index
    %swap3A_799 = tpu.vector_load %arg14[%swap3A_798] {strides = array<i32>} : memref<16xi32, #tpu.memory_space<vmem>>, vector<16xi32>,
    tpu.vector_store %arg14[%swap3A_798], %add3A_792 {strides = array<i32>} : memref<16xi32, #tpu.memory_space<vmem>>, vector<16xi32>,
    %swap3A_800 = arith.constant 0 : index
    %swap3A_801 = tpu.vector_load %arg15[%swap3A_800] {strides = array<i32>} : memref<16xi32, #tpu.memory_space<vmem>>, vector<16xi32>,
    tpu.vector_store %arg15[%swap3A_800], %add3A_797 {strides = array<i32>} : memref<16xi32, #tpu.memory_space<vmem>>, vector<16xi32>,
    %xor3A_802 = arith.constant 2 : i32
    %xor3A_803 = vector.broadcast %xor3A_802 : i32 to vector<16xi32>
    %xor3A_804 = arith.xori %iota3A, %xor3A_803 : vector<16xi32>
    %gather3A_805 = tpu.vector_load_idx %arg14[%xor3A_804] : memref<16xi32, #tpu.memory_space<vmem>>[vector<16xi32>], vector<16xi32>,
    %add3A_806 = arith.addi %add3A_792, %gather3A_805 : vector<16xi32>
    %xor3A_807 = arith.constant 2 : i32
    %xor3A_808 = vector.broadcast %xor3A_807 : i32 to vector<16xi32>
    %xor3A_809 = arith.xori %iota3A, %xor3A_808 : vector<16xi32>
    %gather3A_810 = tpu.vector_load_idx %arg15[%xor3A_809] : memref<16xi32, #tpu.memory_space<vmem>>[vector<16xi32>], vector<16xi32>,
    %add3A_811 = arith.addi %add3A_797, %gather3A_810 : vector<16xi32>
    %swap3A_812 = arith.constant 0 : index
    %swap3A_813 = tpu.vector_load %arg14[%swap3A_812] {strides = array<i32>} : memref<16xi32, #tpu.memory_space<vmem>>, vector<16xi32>,
    tpu.vector_store %arg14[%swap3A_812], %add3A_806 {strides = array<i32>} : memref<16xi32, #tpu.memory_space<vmem>>, vector<16xi32>,
    %swap3A_814 = arith.constant 0 : index
    %swap3A_815 = tpu.vector_load %arg15[%swap3A_814] {strides = array<i32>} : memref<16xi32, #tpu.memory_space<vmem>>, vector<16xi32>,
    tpu.vector_store %arg15[%swap3A_814], %add3A_811 {strides = array<i32>} : memref<16xi32, #tpu.memory_space<vmem>>, vector<16xi32>,
    %xor3A_816 = arith.constant 1 : i32
    %xor3A_817 = vector.broadcast %xor3A_816 : i32 to vector<16xi32>
    %xor3A_818 = arith.xori %iota3A, %xor3A_817 : vector<16xi32>
    %gather3A_819 = tpu.vector_load_idx %arg14[%xor3A_818] : memref<16xi32, #tpu.memory_space<vmem>>[vector<16xi32>], vector<16xi32>,
    %add3A_820 = arith.addi %add3A_806, %gather3A_819 : vector<16xi32>
    %xor3A_821 = arith.constant 1 : i32
    %xor3A_822 = vector.broadcast %xor3A_821 : i32 to vector<16xi32>
    %xor3A_823 = arith.xori %iota3A, %xor3A_822 : vector<16xi32>
    %gather3A_824 = tpu.vector_load_idx %arg15[%xor3A_823] : memref<16xi32, #tpu.memory_space<vmem>>[vector<16xi32>], vector<16xi32>,
    %add3A_825 = arith.addi %add3A_811, %gather3A_824 : vector<16xi32>
    %shift_right_arithmetic3A_826 = arith.constant 16 : i32
    %shift_right_arithmetic3A_827 = vector.broadcast %shift_right_arithmetic3A_826 : i32 to vector<16xi32>
    %shift_right_arithmetic3A_828 = arith.shrsi %add3A_820, %shift_right_arithmetic3A_827 : vector<16xi32>
    %and3A_829 = arith.constant 65535 : i32
    %and3A_830 = vector.broadcast %and3A_829 : i32 to vector<16xi32>
    %and3A_831 = arith.andi %add3A_820, %and3A_830 : vector<16xi32>
    %sub3A = arith.subi %and3A_831, %shift_right_arithmetic3A_828 : vector<16xi32>
    %sub3A_832 = arith.subi %add3A_825, %shift_right_arithmetic3A_828 : vector<16xi32>
    %broadcast_in_dim3A_833 = arith.constant 1024 : i32
    %broadcast_in_dim3A_834 = vector.broadcast %broadcast_in_dim3A_833 : i32 to vector<16xi32>
    %sub3A_835 = arith.subi %broadcast_in_dim3A_834, %sub3A : vector<16xi32>
    %sub3A_836 = arith.subi %sub3A_835, %sub3A_832 : vector<16xi32>
    %sub3A_837 = arith.subi %sub3A_836, %shift_right_arithmetic3A_828 : vector<16xi32>
    %lt3A = arith.constant 3 : i32
    %lt3A_838 = vector.broadcast %lt3A : i32 to vector<16xi32>
    %lt3A_839 = arith.cmpi slt, %iota3A, %lt3A_838 : vector<16xi32>
    %lt3A_840 = arith.constant 6 : i32
    %lt3A_841 = vector.broadcast %lt3A_840 : i32 to vector<16xi32>
    %lt3A_842 = arith.cmpi slt, %iota3A, %lt3A_841 : vector<16xi32>
    %lt3A_843 = arith.constant 9 : i32
    %lt3A_844 = vector.broadcast %lt3A_843 : i32 to vector<16xi32>
    %lt3A_845 = arith.cmpi slt, %iota3A, %lt3A_844 : vector<16xi32>
    %lt3A_846 = arith.constant 12 : i32
    %lt3A_847 = vector.broadcast %lt3A_846 : i32 to vector<16xi32>
    %lt3A_848 = arith.cmpi slt, %iota3A, %lt3A_847 : vector<16xi32>
    %select_n3A = arith.select %lt3A_848, %shift_right_arithmetic3A_828, %broadcast_in_dim3A_5 : vector<16xi1>, vector<16xi32>
    %select_n3A_849 = arith.select %lt3A_845, %sub3A_832, %select_n3A : vector<16xi1>, vector<16xi32>
    %select_n3A_850 = arith.select %lt3A_842, %sub3A, %select_n3A_849 : vector<16xi1>, vector<16xi32>
    %select_n3A_851 = arith.select %lt3A_839, %sub3A_837, %select_n3A_850 : vector<16xi1>, vector<16xi32>
    %swap3A_852 = arith.constant 0 : index
    %swap3A_853 = tpu.vector_load %arg8[%swap3A_852] {strides = array<i32>} : memref<16xi32, #tpu.memory_space<vmem>>, vector<16xi32>,
    tpu.vector_store %arg8[%swap3A_852], %select_n3A_851 {strides = array<i32>} : memref<16xi32, #tpu.memory_space<vmem>>, vector<16xi32>,
    %mul3A_854 = arith.constant 16 : i32
    %mul3A_855 = arith.muli %arg1, %mul3A_854 : i32
    "tpu.region"() ({
      %run_scoped3A = tpu.sem_alloc : memref<!tpu.dma_semaphore, #tpu.memory_space<semaphore_mem>>
      %dma_start3A_861 = tpu.memref_slice %arg16[%mul3A_855] : memref<256xi32, #tpu.memory_space<vmem_shared>> -> memref<16xi32, #tpu.memory_space<vmem_shared>>
      %dma_start3A_862 = tpu.memref_slice %arg16[%mul3A_855] : memref<256xi32, #tpu.memory_space<vmem_shared>> -> memref<16xi32, #tpu.memory_space<vmem_shared>>
      tpu.enqueue_dma source(%arg8 : memref<16xi32, #tpu.memory_space<vmem>>) target(%dma_start3A_862 : memref<16xi32, #tpu.memory_space<vmem_shared>>) target_semaphore(%run_scoped3A : memref<!tpu.dma_semaphore, #tpu.memory_space<semaphore_mem>>)
      %dma_wait3A_863 = tpu.memref_slice %arg16[%mul3A_855] : memref<256xi32, #tpu.memory_space<vmem_shared>> -> memref<16xi32, #tpu.memory_space<vmem_shared>>
      %dma_wait3A_864 = tpu.memref_slice %arg16[%mul3A_855] : memref<256xi32, #tpu.memory_space<vmem_shared>> -> memref<16xi32, #tpu.memory_space<vmem_shared>>
      tpu.wait_dma2 semaphore(%run_scoped3A : memref<!tpu.dma_semaphore, #tpu.memory_space<semaphore_mem>>) src(%arg8 : memref<16xi32, #tpu.memory_space<vmem>>) dst(%dma_wait3A_864 : memref<16xi32, #tpu.memory_space<vmem_shared>>)
      tpu.yield
    }) : () -> ()
    %barrier3A = arith.constant 0 : index
    tpu.barrier barrier_id(%barrier3A)
    %eq3A_856 = arith.constant 0 : i32
    %eq3A_857 = arith.cmpi eq, %arg1, %eq3A_856 : i32
    %convert_element_type3A_858 = arith.extui %eq3A_857 : i1 to i32
    %cond3A_859 = arith.constant 0 : i32
    %cond3A_860 = arith.cmpi ne, %convert_element_type3A_858, %cond3A_859 : i32
    scf.if %cond3A_860 {
      "tpu.region"() ({
        %run_scoped3A = tpu.sem_alloc : memref<!tpu.dma_semaphore, #tpu.memory_space<semaphore_mem>>
        tpu.enqueue_dma source(%arg16 : memref<256xi32, #tpu.memory_space<vmem_shared>>) target(%arg13 : memref<256xi32, #tpu.memory_space<vmem>>) target_semaphore(%run_scoped3A : memref<!tpu.dma_semaphore, #tpu.memory_space<semaphore_mem>>)
        tpu.wait_dma2 semaphore(%run_scoped3A : memref<!tpu.dma_semaphore, #tpu.memory_space<semaphore_mem>>) src(%arg16 : memref<256xi32, #tpu.memory_space<vmem_shared>>) dst(%arg13 : memref<256xi32, #tpu.memory_space<vmem>>)
        tpu.yield
      }) : () -> ()
      %get3A_861 = arith.constant 0 : index
      %get3A_862 = tpu.vector_load %arg13[%get3A_861] {strides = array<i32>} : memref<256xi32, #tpu.memory_space<vmem>>, vector<16xi32>,
      %get3A_863 = arith.constant 16 : index
      %get3A_864 = tpu.vector_load %arg13[%get3A_863] {strides = array<i32>} : memref<256xi32, #tpu.memory_space<vmem>>, vector<16xi32>,
      %add3A_865 = arith.addi %get3A_862, %get3A_864 : vector<16xi32>
      %get3A_866 = arith.constant 32 : index
      %get3A_867 = tpu.vector_load %arg13[%get3A_866] {strides = array<i32>} : memref<256xi32, #tpu.memory_space<vmem>>, vector<16xi32>,
      %add3A_868 = arith.addi %add3A_865, %get3A_867 : vector<16xi32>
      %get3A_869 = arith.constant 48 : index
      %get3A_870 = tpu.vector_load %arg13[%get3A_869] {strides = array<i32>} : memref<256xi32, #tpu.memory_space<vmem>>, vector<16xi32>,
      %add3A_871 = arith.addi %add3A_868, %get3A_870 : vector<16xi32>
      %get3A_872 = arith.constant 64 : index
      %get3A_873 = tpu.vector_load %arg13[%get3A_872] {strides = array<i32>} : memref<256xi32, #tpu.memory_space<vmem>>, vector<16xi32>,
      %add3A_874 = arith.addi %add3A_871, %get3A_873 : vector<16xi32>
      %get3A_875 = arith.constant 80 : index
      %get3A_876 = tpu.vector_load %arg13[%get3A_875] {strides = array<i32>} : memref<256xi32, #tpu.memory_space<vmem>>, vector<16xi32>,
      %add3A_877 = arith.addi %add3A_874, %get3A_876 : vector<16xi32>
      %get3A_878 = arith.constant 96 : index
      %get3A_879 = tpu.vector_load %arg13[%get3A_878] {strides = array<i32>} : memref<256xi32, #tpu.memory_space<vmem>>, vector<16xi32>,
      %add3A_880 = arith.addi %add3A_877, %get3A_879 : vector<16xi32>
      %get3A_881 = arith.constant 112 : index
      %get3A_882 = tpu.vector_load %arg13[%get3A_881] {strides = array<i32>} : memref<256xi32, #tpu.memory_space<vmem>>, vector<16xi32>,
      %add3A_883 = arith.addi %add3A_880, %get3A_882 : vector<16xi32>
      %get3A_884 = arith.constant 128 : index
      %get3A_885 = tpu.vector_load %arg13[%get3A_884] {strides = array<i32>} : memref<256xi32, #tpu.memory_space<vmem>>, vector<16xi32>,
      %add3A_886 = arith.addi %add3A_883, %get3A_885 : vector<16xi32>
      %get3A_887 = arith.constant 144 : index
      %get3A_888 = tpu.vector_load %arg13[%get3A_887] {strides = array<i32>} : memref<256xi32, #tpu.memory_space<vmem>>, vector<16xi32>,
      %add3A_889 = arith.addi %add3A_886, %get3A_888 : vector<16xi32>
      %get3A_890 = arith.constant 160 : index
      %get3A_891 = tpu.vector_load %arg13[%get3A_890] {strides = array<i32>} : memref<256xi32, #tpu.memory_space<vmem>>, vector<16xi32>,
      %add3A_892 = arith.addi %add3A_889, %get3A_891 : vector<16xi32>
      %get3A_893 = arith.constant 176 : index
      %get3A_894 = tpu.vector_load %arg13[%get3A_893] {strides = array<i32>} : memref<256xi32, #tpu.memory_space<vmem>>, vector<16xi32>,
      %add3A_895 = arith.addi %add3A_892, %get3A_894 : vector<16xi32>
      %get3A_896 = arith.constant 192 : index
      %get3A_897 = tpu.vector_load %arg13[%get3A_896] {strides = array<i32>} : memref<256xi32, #tpu.memory_space<vmem>>, vector<16xi32>,
      %add3A_898 = arith.addi %add3A_895, %get3A_897 : vector<16xi32>
      %get3A_899 = arith.constant 208 : index
      %get3A_900 = tpu.vector_load %arg13[%get3A_899] {strides = array<i32>} : memref<256xi32, #tpu.memory_space<vmem>>, vector<16xi32>,
      %add3A_901 = arith.addi %add3A_898, %get3A_900 : vector<16xi32>
      %get3A_902 = arith.constant 224 : index
      %get3A_903 = tpu.vector_load %arg13[%get3A_902] {strides = array<i32>} : memref<256xi32, #tpu.memory_space<vmem>>, vector<16xi32>,
      %add3A_904 = arith.addi %add3A_901, %get3A_903 : vector<16xi32>
      %get3A_905 = arith.constant 240 : index
      %get3A_906 = tpu.vector_load %arg13[%get3A_905] {strides = array<i32>} : memref<256xi32, #tpu.memory_space<vmem>>, vector<16xi32>,
      %add3A_907 = arith.addi %add3A_904, %get3A_906 : vector<16xi32>
      tpu.wait_dma2 semaphore(%arg17 : memref<!tpu.dma_semaphore, #tpu.memory_space<semaphore_mem>>) src(%arg4 : memref<4xi32, #tpu.memory_space<hbm>>) dst(%arg9 : memref<4xi32, #tpu.memory_space<vmem>>)
      tpu.wait_dma2 semaphore(%arg17 : memref<!tpu.dma_semaphore, #tpu.memory_space<semaphore_mem>>) src(%arg5 : memref<12xf32, #tpu.memory_space<hbm>>) dst(%arg10 : memref<12xf32, #tpu.memory_space<vmem>>)
      tpu.wait_dma2 semaphore(%arg17 : memref<!tpu.dma_semaphore, #tpu.memory_space<semaphore_mem>>) src(%arg3 : memref<3xf32, #tpu.memory_space<hbm>>) dst(%arg11 : memref<3xf32, #tpu.memory_space<vmem>>)
      %mul3A_908 = arith.constant 11 : i32
      %mul3A_909 = vector.broadcast %mul3A_908 : i32 to vector<16xi32>
      %mul3A_910 = arith.muli %iota3A, %mul3A_909 : vector<16xi32>
      %shift_right_arithmetic3A_911 = arith.constant 5 : i32
      %shift_right_arithmetic3A_912 = vector.broadcast %shift_right_arithmetic3A_911 : i32 to vector<16xi32>
      %shift_right_arithmetic3A_913 = arith.shrsi %mul3A_910, %shift_right_arithmetic3A_912 : vector<16xi32>
      %lt3A_914 = arith.constant 12 : i32
      %lt3A_915 = vector.broadcast %lt3A_914 : i32 to vector<16xi32>
      %lt3A_916 = arith.cmpi slt, %iota3A, %lt3A_915 : vector<16xi32>
      %jit3A = arith.constant 0 : i32
      %broadcast_in_dim3A_917 = vector.broadcast %jit3A : i32 to vector<16xi32>
      %select_n3A_918 = arith.select %lt3A_916, %shift_right_arithmetic3A_913, %broadcast_in_dim3A_917 : vector<16xi1>, vector<16xi32>
      %lt3A_919 = arith.constant 12 : i32
      %lt3A_920 = vector.broadcast %lt3A_919 : i32 to vector<16xi32>
      %lt3A_921 = arith.cmpi slt, %iota3A, %lt3A_920 : vector<16xi32>
      %mul3A_922 = arith.constant 3 : i32
      %mul3A_923 = vector.broadcast %mul3A_922 : i32 to vector<16xi32>
      %mul3A_924 = arith.muli %mul3A_923, %shift_right_arithmetic3A_913 : vector<16xi32>
      %sub3A_925 = arith.subi %iota3A, %mul3A_924 : vector<16xi32>
      %jit3A_926 = arith.constant 0 : i32
      %broadcast_in_dim3A_927 = vector.broadcast %jit3A_926 : i32 to vector<16xi32>
      %select_n3A_928 = arith.select %lt3A_921, %sub3A_925, %broadcast_in_dim3A_927 : vector<16xi1>, vector<16xi32>
      %gather3A_929 = tpu.vector_load_idx %arg9[%select_n3A_918] : memref<4xi32, #tpu.memory_space<vmem>>[vector<16xi32>], vector<16xi32>,
      %mul3A_930 = arith.constant 3 : i32
      %mul3A_931 = vector.broadcast %mul3A_930 : i32 to vector<16xi32>
      %mul3A_932 = arith.muli %gather3A_929, %mul3A_931 : vector<16xi32>
      %add3A_933 = arith.addi %mul3A_932, %select_n3A_928 : vector<16xi32>
      %gather3A_934 = tpu.vector_load_idx %arg10[%add3A_933] : memref<12xf32, #tpu.memory_space<vmem>>[vector<16xi32>], vector<16xf32>,
      %lt3A_935 = arith.constant 3 : i32
      %lt3A_936 = vector.broadcast %lt3A_935 : i32 to vector<16xi32>
      %lt3A_937 = arith.cmpi slt, %iota3A, %lt3A_936 : vector<16xi32>
      %jit3A_938 = arith.constant 0 : i32
      %broadcast_in_dim3A_939 = vector.broadcast %jit3A_938 : i32 to vector<16xi32>
      %select_n3A_940 = arith.select %lt3A_937, %iota3A, %broadcast_in_dim3A_939 : vector<16xi1>, vector<16xi32>
      %gather3A_941 = tpu.vector_load_idx %arg11[%select_n3A_940] : memref<3xf32, #tpu.memory_space<vmem>>[vector<16xi32>], vector<16xf32>,
      %convert_element_type3A_942 = arith.sitofp %add3A_907 : vector<16xi32> to vector<16xf32>
      %mul3A_943 = arith.mulf %convert_element_type3A_942, %gather3A_934 : vector<16xf32>
      %swap3A_944 = arith.constant 0 : index
      %swap3A_945 = tpu.vector_load %arg12[%swap3A_944] {strides = array<i32>} : memref<16xf32, #tpu.memory_space<vmem>>, vector<16xf32>,
      tpu.vector_store %arg12[%swap3A_944], %mul3A_943 {strides = array<i32>} : memref<16xf32, #tpu.memory_space<vmem>>, vector<16xf32>,
      %add3A_946 = arith.constant 3 : i32
      %add3A_947 = vector.broadcast %add3A_946 : i32 to vector<16xi32>
      %add3A_948 = arith.addi %iota3A, %add3A_947 : vector<16xi32>
      %min3A = arith.constant 15 : i32
      %min3A_949 = vector.broadcast %min3A : i32 to vector<16xi32>
      %min3A_950 = arith.minsi %add3A_948, %min3A_949 : vector<16xi32>
      %gather3A_951 = tpu.vector_load_idx %arg12[%min3A_950] : memref<16xf32, #tpu.memory_space<vmem>>[vector<16xi32>], vector<16xf32>,
      %add3A_952 = arith.constant 6 : i32
      %add3A_953 = vector.broadcast %add3A_952 : i32 to vector<16xi32>
      %add3A_954 = arith.addi %iota3A, %add3A_953 : vector<16xi32>
      %min3A_955 = arith.constant 15 : i32
      %min3A_956 = vector.broadcast %min3A_955 : i32 to vector<16xi32>
      %min3A_957 = arith.minsi %add3A_954, %min3A_956 : vector<16xi32>
      %gather3A_958 = tpu.vector_load_idx %arg12[%min3A_957] : memref<16xf32, #tpu.memory_space<vmem>>[vector<16xi32>], vector<16xf32>,
      %add3A_959 = arith.constant 9 : i32
      %add3A_960 = vector.broadcast %add3A_959 : i32 to vector<16xi32>
      %add3A_961 = arith.addi %iota3A, %add3A_960 : vector<16xi32>
      %min3A_962 = arith.constant 15 : i32
      %min3A_963 = vector.broadcast %min3A_962 : i32 to vector<16xi32>
      %min3A_964 = arith.minsi %add3A_961, %min3A_963 : vector<16xi32>
      %gather3A_965 = tpu.vector_load_idx %arg12[%min3A_964] : memref<16xf32, #tpu.memory_space<vmem>>[vector<16xi32>], vector<16xf32>,
      %add3A_966 = arith.addf %mul3A_943, %gather3A_951 : vector<16xf32>
      %add3A_967 = arith.addf %add3A_966, %gather3A_958 : vector<16xf32>
      %add3A_968 = arith.addf %add3A_967, %gather3A_965 : vector<16xf32>
      %add3A_969 = arith.addf %add3A_968, %gather3A_941 : vector<16xf32>
      %swap3A_970 = arith.constant 0 : index
      %swap3A_971 = tpu.vector_load %arg12[%swap3A_970] {strides = array<i32>} : memref<16xf32, #tpu.memory_space<vmem>>, vector<16xf32>,
      tpu.vector_store %arg12[%swap3A_970], %add3A_969 {strides = array<i32>} : memref<16xf32, #tpu.memory_space<vmem>>, vector<16xf32>,
      "tpu.region"() ({
        %run_scoped3A = tpu.sem_alloc : memref<!tpu.dma_semaphore, #tpu.memory_space<semaphore_mem>>
        %dma_start3A_972 = arith.constant 0 : i32
        %dma_start3A_973 = tpu.memref_slice %arg12[%dma_start3A_972] : memref<16xf32, #tpu.memory_space<vmem>> -> memref<3xf32, #tpu.memory_space<vmem>>
        %dma_start3A_974 = arith.constant 0 : i32
        %dma_start3A_975 = tpu.memref_slice %arg12[%dma_start3A_974] : memref<16xf32, #tpu.memory_space<vmem>> -> memref<3xf32, #tpu.memory_space<vmem>>
        tpu.enqueue_dma source(%dma_start3A_975 : memref<3xf32, #tpu.memory_space<vmem>>) target(%arg6 : memref<3xf32, #tpu.memory_space<hbm>>) target_semaphore(%run_scoped3A : memref<!tpu.dma_semaphore, #tpu.memory_space<semaphore_mem>>)
        %dma_wait3A_976 = arith.constant 0 : i32
        %dma_wait3A_977 = tpu.memref_slice %arg12[%dma_wait3A_976] : memref<16xf32, #tpu.memory_space<vmem>> -> memref<3xf32, #tpu.memory_space<vmem>>
        %dma_wait3A_978 = arith.constant 0 : i32
        %dma_wait3A_979 = tpu.memref_slice %arg12[%dma_wait3A_978] : memref<16xf32, #tpu.memory_space<vmem>> -> memref<3xf32, #tpu.memory_space<vmem>>
        tpu.wait_dma2 semaphore(%run_scoped3A : memref<!tpu.dma_semaphore, #tpu.memory_space<semaphore_mem>>) src(%dma_wait3A_979 : memref<3xf32, #tpu.memory_space<vmem>>) dst(%arg6 : memref<3xf32, #tpu.memory_space<hbm>>)
        tpu.yield
      }) : () -> ()
    } else {
    }
    return
  }
}

</mosaic_0001>

<sc_bundles>
// kernel: kernel.3.cloned.1.call-start
scs
__scs_entry_jumppad:
0x0: {  	(pc) =	sbr.rel $0x88, $3  }
0x1: {  	(tag) =	ssettag $0x0;
	lr =	simm.s32 $0x1  }
0x2: {  	[smem:$0x3F9D] =	sst lr;
	_ =	strace $0xD0000000  }
0x3: {  	_ = 	snop  }
0x4: {  	_ = 	snop  }
0x5: {  	_ = 	snop  }
0x6: {  	_ = 	snop  }
0x7: {  	_ = 	snop  }
__scs_overlays_trampoline_lowered:
0x8: {  	[smem:$0x3FAC] =	sst s0  }
0x9: {  	[smem:$0x3FAD] =	sst s1  }
0xa: {  	[smem:$0x3FAE] =	sst s2  }
0xb: {  	[smem:$0x3FAF] =	sst s3  }
0xc: {  	[smem:$0x3FB0] =	sst s4  }
0xd: {  	[smem:$0x3FB1] =	sst s5  }
0xe: {  	[smem:$0x3FB2] =	sst s6  }
0xf: {  	[smem:$0x3FB3] =	sst s7  }
0x10: {  	[smem:$0x3FB4] =	sst s8  }
0x11: {  	[smem:$0x3FB5] =	sst s9;
	s0 =	simm.s32 @!p0 $0x0  }
0x12: {  	s1 =	sld [smem:$0x3F9B];
	s0 =	simm.s32 @p0 $0x1  }
0x13: {  	[smem:$0x3FB6] =	sst s0;
	s0 =	simm.s32 @!p1 $0x0  }
0x14: {  	s2 =	sld [smem:$0x3F9A];
	s0 =	simm.s32 @p1 $0x1  }
0x15: {  	[smem:$0x3FB7] =	sst s0;
	s0 =	simm.s32 @!p2 $0x0  }
0x16: {  	s3 =	sld [smem:$0x3FDB];
	s0 =	simm.s32 @p2 $0x1  }
0x17: {  	s4 =	simm.s32 $0x1BF5;
	[smem:$0x3FB9] =	sst s0  }
0x18: {  	s0 =	sld [smem:$0x3F9C];
	_ =	swait.ge [sflag:s4], $0x0  }
0x19: {  	s7 =	sld [smem:$0x3F9D]  }
0x1a: {  	s8 =	sadd.s32 $0xFFFFE003, lr  }
0x1b: {  	s9 =	sadd.s32 $0xFFFFFEF7, lr;
	s5 =	simm.s32 $0xFFFFFFFF;
	p2 =	slt.u32 s8, $0xFFFFF086  }
0x1c: {  	p1 =	slt.u32 s9, $0xF7A;
	s5 =	simm.s32 @!p2 $0x0  }
0x1d: {  	s5 =	simm.s32 @p1 $0x1;
	p0 =	seq.s32 s7, s2  }
0x1e: {  	s7 =	smul.u32 @!p0 $0xF7A, s2;
	p2 =	seq.s32 @!p0 s5, $0x0  }
0x1f: {  	s9 =	smul.u32 $0xF7A, s1;
	s8 =	simm.s32 @!p0 $0x1BF5;
	p2 =	por !p2, p0  }
0x20: {  	[sflag:s8] =	ssyncset.s32 @!p0 $0xFFFFF086;
	s6 =	sadd.s32 @!p0 s3, s7;
	s7 =	simm.s32 @!p0 $0x108  }
0x21: {  	s3 =	sadd.s32 s3, s9;
	s6 =	sadd.s32 @!p0 $0x88, s6;
	s7 =	simm.s32 @p2 $0x1082  }
0x22: {  	[simem:s7], [sflag:s8] =	dma.local @!p0 [hbm:s6], $0xF7A  }
0x23: {  	s9 =	sor.u32 $0xD0000000, s2;
	s6 =	simm.s32 $0x108;
	_ =	swait.ge @!p0 [sflag:s8], $0x0  }
0x24: {  	s3 =	sadd.s32 $0x88, s3;
	s6 =	simm.s32 @!p1 $0x1082;
	[sflag:s4] =	ssyncset.s32 $0xFFFFF086  }
0x25: {  	[simem:s6], [sflag:s4] =	dma.local [hbm:s3], $0xF7A  }
0x26: {  	[smem:$0x3F9D] =	sst s1;
	(tag) =	ssettag s2;
	_ =	strace s9  }
0x27: {  	s1 =	sld [smem:$0x3FAD]  }
0x28: {  	s2 =	sld [smem:$0x3FAE]  }
0x29: {  	s4 =	sld [smem:$0x3FB0]  }
0x2a: {  	p0 =	seq.s32 s5, $0x0;
	s5 =	sld [smem:$0x3FB1]  }
0x2b: {  	s6 =	sld [smem:$0x3FB2]  }
0x2c: {  	s7 =	sld [smem:$0x3FB3]  }
0x2d: {  	s3 =	simm.s32 $0x108;
	s8 =	sld [smem:$0x3FB4]  }
0x2e: {  	s3 =	simm.s32 @!p0 $0x1082;
	s9 =	sld [smem:$0x3FB5]  }
0x2f: {  	lr =	sadd.s32 s0, s3;
	s0 =	sld [smem:$0x3FAC]  }
0x30: {  	s3 =	sld [smem:$0x3FAF]  }
0x31: {  	[smem:$0x3FB8] =	sst s10  }
0x32: {  	s10 =	sld [smem:$0x3FB6];
	_ =	sdelay $0x3  }
0x33: {  	p0 =	seq.s32 s10, $0x1;
	s10 =	sld [smem:$0x3FB8];
	_ =	sdelay $0x3  }
0x34: {  	[smem:$0x3FB8] =	sst s10  }
0x35: {  	s10 =	sld [smem:$0x3FB7];
	_ =	sdelay $0x3  }
0x36: {  	p1 =	seq.s32 s10, $0x1;
	s10 =	sld [smem:$0x3FB8];
	_ =	sdelay $0x3  }
0x37: {  	[smem:$0x3FB8] =	sst s10  }
0x38: {  	s10 =	sld [smem:$0x3FB9]  }
0x39: {  	_ = 	snop;
	(pc) =	sbr.ind lr, $3  }
0x3a: {  	_ = 	snop  }
0x3b: {  	_ = 	snop  }
0x3c: {  	p2 =	seq.s32 s10, $0x1;
	s10 =	sld [smem:$0x3FB8]  }
0x3d: {  	_ =	shalt  }
0x3e: {  	_ =	shalt  }
0x3f: {  	_ =	shalt  }
0x40: {  	_ =	shalt  }
0x41: {  	_ =	shalt  }
0x42: {  	_ =	shalt  }
0x43: {  	_ =	shalt  }
0x44: {  	_ =	shalt  }
0x45: {  	_ =	shalt  }
0x46: {  	_ =	shalt  }
0x47: {  	_ =	shalt  }
0x48: {  	_ =	shalt  }
0x49: {  	_ =	shalt  }
0x4a: {  	_ =	shalt  }
0x4b: {  	_ =	shalt  }
0x4c: {  	_ =	shalt  }
0x4d: {  	_ =	shalt  }
0x4e: {  	_ =	shalt  }
0x4f: {  	_ =	shalt  }
0x50: {  	_ =	shalt  }
0x51: {  	_ =	shalt  }
0x52: {  	_ =	shalt  }
0x53: {  	_ =	shalt  }
0x54: {  	_ =	shalt  }
0x55: {  	_ =	shalt  }
0x56: {  	_ =	shalt  }
0x57: {  	_ =	shalt  }
0x58: {  	_ =	shalt  }
0x59: {  	_ =	shalt  }
0x5a: {  	_ =	shalt  }
0x5b: {  	_ =	shalt  }
0x5c: {  	_ =	shalt  }
0x5d: {  	_ =	shalt  }
0x5e: {  	_ =	shalt  }
0x5f: {  	_ =	shalt  }
0x60: {  	_ =	shalt  }
0x61: {  	_ =	shalt  }
0x62: {  	_ =	shalt  }
0x63: {  	_ =	shalt  }
0x64: {  	_ =	shalt  }
0x65: {  	_ =	shalt  }
0x66: {  	_ =	shalt  }
0x67: {  	_ =	shalt  }
0x68: {  	_ =	shalt  }
0x69: {  	_ =	shalt  }
0x6a: {  	_ =	shalt  }
0x6b: {  	_ =	shalt  }
0x6c: {  	_ =	shalt  }
0x6d: {  	_ =	shalt  }
0x6e: {  	_ =	shalt  }
0x6f: {  	_ =	shalt  }
0x70: {  	_ =	shalt  }
0x71: {  	_ =	shalt  }
0x72: {  	_ =	shalt  }
0x73: {  	_ =	shalt  }
0x74: {  	_ =	shalt  }
0x75: {  	_ =	shalt  }
0x76: {  	_ =	shalt  }
0x77: {  	_ =	shalt  }
0x78: {  	_ =	shalt  }
0x79: {  	_ =	shalt  }
0x7a: {  	_ =	shalt  }
0x7b: {  	_ =	shalt  }
0x7c: {  	_ =	shalt  }
0x7d: {  	_ =	shalt  }
0x7e: {  	_ =	shalt  }
0x7f: {  	_ =	shalt  }
0x80: {  	_ =	shalt  }
0x81: {  	_ =	shalt  }
0x82: {  	_ =	shalt  }
0x83: {  	_ =	shalt  }
0x84: {  	_ =	shalt  }
0x85: {  	_ =	shalt  }
0x86: {  	_ =	shalt  }
0x87: {  	_ =	shalt  }
.Lfunc_end0:
.L_simem_size_0:
called_computation_lowered:
.L_overlay_start_0:
0x88: {  	s0 =	sld [smem:$0x3FD9]  }
0x89: {  	s1 =	sld [smem:$0x3FFE];
	_ =	sdelay $0x3  }
0x8a: {  	s0 =	sadd.s32 s1, s0  }
0x8b: {  	[smem:$0x3FC4] =	sst s0  }
0x8c: {  	_ = 	snop  }
0x8d: {  	s0 =	sld [smem:$0x3FC9]  }
0x8e: {  	s16 =	sld [smem:$0x3FC8]  }
0x8f: {  	s2 =	sld [smem:$0x3FC7]  }
0x90: {  	s3 =	sld [smem:$0x3FD0];
	(tm) =	ssettm $0x1  }
0x91: {  	s4 =	sld [smem:$0x3FFB];
	_ =	sdelay $0x3  }
0x92: {  	_ =	strace s4  }
0x93: {  	s4 =	sld [smem:$0x3FFC];
	_ =	sdelay $0x3  }
0x94: {  	_ =	strace s4  }
0x95: {  	s4 =	sld [smem:$0x3FFD];
	_ =	sdelay $0x3  }
0x96: {  	_ =	strace s4  }
0x97: {  	_ =	strace $0x8FFFFFFF  }
0x98: {  	s17 =	sld [smem:$0x3FDB];
	_ =	sdelay $0x1  }
0x99: {  	s5 =	simm.s32 $_scs_section_size  }
0x9a: {  	s6 =	simm.s32 $_size__tile_overlayer_lowered;
	s7 =	simm.s32 $_tile_overlayer_lowered  }
0x9b: {  	s20 =	simm.s32 $0x1BFF;
	s19 =	sshll.u32 s7, $0x1;
	s4 =	sadd.s32 s5, s17  }
0x9c: {  	s8 =	simm.s32 $0x0;
	s18 =	sshll.u32 s6, $0x1;
	s6 =	sadd.s32 s19, s4  }
0x9d: {  	[timem:s8], [sflag:s20] =	dma.local [hbm:s6], s18  }
0x9e: {  	_ =	swait.ge [sflag:s20], s18  }
0x9f: {  	s5 =	ssub.s32 $0x0, s18;
	[sflag:s20] =	ssyncset.done $0x0  }
0xa0: {  	[sflag:s20] =	ssyncadd.s32 s5;
	_ =	sdelay $0x1  }
0xa1: {  	s21 =	simm.s32 $0x1B8B  }
0xa2: {  	_ =	swait.ge [sflag:s21], $0x1  }
0xa3: {  	[sflag:s21] =	ssyncset.done $0x0  }
0xa4: {  	s23 =	simm.s32 $0x1B8E;
	s22 =	sld [smem:$0x3FFE];
	[sflag:s21] =	ssyncadd.s32 $0xFFFFFFFF  }
0xa5: {  	s24 =	simm.s32 $execute0_lowered;
	[smem:$0x3FD2] =	sst s23  }
0xa6: {  	s6 =	sshll.u32 s24, $0x1;
	_ =	strace $0x80000046;
	[dreg:$0x1] =	wrdreg $0xFFFFFFFF  }
0xa7: {  	s25 =	simm.s32 $_size_execute0_lowered;
	s4 =	sadd.s32 s4, s6;
	[dreg:$0x0] =	wrdreg $0x0  }
0xa8: {  	s6 =	sshll.u32 s25, $0x1;
	[dreg:$0x2] =	wrdreg s4  }
0xa9: {  	[dreg:$0x3] =	wrdreg s6  }
0xaa: {  	[dreg:$0x4] =	wrdreg $0xC0  }
0xab: {  	_ =	task [dreg:s8], $0x5FFFF  }
0xac: {  	[dreg:$0x1] =	wrdreg $0xFFFFFFFF  }
0xad: {  	[dreg:$0x0] =	wrdreg $0x60  }
0xae: {  	[dreg:$0x2] =	wrdreg s0  }
0xaf: {  	[dreg:$0x3] =	wrdreg s16  }
0xb0: {  	[dreg:$0x4] =	wrdreg s2  }
0xb1: {  	[dreg:$0x5] =	wrdreg s22  }
0xb2: {  	[dreg:$0x6] =	wrdreg s3  }
0xb3: {  	[dreg:$0x7] =	wrdreg $0x8800  }
0xb4: {  	[dreg:$0x8] =	wrdreg $0x9  }
0xb5: {  	_ =	task.clear_ibuf [dreg:s8], $0x9FFFF;
	_ =	strace $0x90000046  }
0xb6: {  	s26 =	simm.s32 $0x9;
	_ =	strace $0x80000048  }
0xb7: {  	_ =	swait.ge [sflag:s26], $0x1  }
0xb8: {  	[sflag:s26] =	ssyncadd.s32 $0xFFFFFFFF  }
0xb9: {  	_ =	strace $0x90000048  }
0xba: {  	_ =	sfence  }
0xbb: {  	s28 =	sld [smem:$0x0];
	_ =	sdelay $0x1  }
0xbc: {  	s29 =	srdreg.scid  }
0xbd: {  	s30 =	sshll.u32 s29, $0xD;
	s31 =	sshrl.u32 s29, $0x2  }
0xbe: {  	s1 =	sand.u32 $0x1, s29;
	s2 =	sand.u32 $0x4000, s30;
	s0 =	sadd.s32 s31, s28  }
0xbf: {  	s1 =	sor.u32 s2, s1;
	s0 =	sshll.u32 s0, $0x11  }
0xc0: {  	s0 =	sor.u32 s0, s1  }
0xc1: {  	s0 =	sadd.s32 $0x8F2B, s0  }
0xc2: {  	[sflag:s0] =	ssyncadd.remote.s32 $0x1  }
0xc3: {  	_ =	sfence.sel $0xFFFF  }
0xc4: {  	[dreg:$0x0] =	wrdreg $0xFFFFFFFF;
	(pc) =	sbr.abs _section_cstart, $3  }
0xc5: {  	[dreg:$0x1] =	wrdreg $0xFFFFFFFF  }
0xc6: {  	_ =	task.clear_ibuf [dreg:s8], $0x2FFFF;
	_ =	strace $0x9FFFFFFF  }
0xc7: {  	(tm) =	ssettm $0x7FFFFFFF  }
tec
execute0_lowered:
.L_overlay_start_1:
0x0: {  	(tag) =	ssettag $0x1  }
0x1: {  	s5 =	rddreg [dreg:$0x0]  }
0x2: {  	s6 =	rddreg [dreg:$0x1]  }
0x3: {  	s7 =	rddreg [dreg:$0x2]  }
0x4: {  	s8 =	rddreg [dreg:$0x3]  }
0x5: {  	s1 =	rddreg [dreg:$0x4]  }
0x6: {  	s3 =	rddreg [dreg:$0x5]  }
0x7: {  	s0 =	rddreg [dreg:$0x6];
	s2 =	simm.s32 $0x0;
	s4 =	stileid.u32  }
0x8: {  	[smem:$0x7FF] =	sst s2;
	s9 =	sshll.u32 s4, $0x7  }
0x9: {  	p0 =	sne.s32 s4, $0x0;
	_ =	strace $0x80000047;
	s5 =	sadd.s32 s5, s9  }
0xa: {  	[tilespmem:s2], [sflag:$0x2] =	stream.linear.gather [hbm4b:s5+s2], $0x400, $0x38;
	[tilespmem:$0x890] =	vst v63  }
0xb: {  	s9 =	simm.s32 @!p0 $0x480;
	s5 =	simm.s32 @!p0 $0x0  }
0xc: {  	[tilespmem:s9], [sflag:$0x1] =	stream.linear.gather @!p0 [hbm4b:s7+s5], $0x80, $0x38;
	[tilespmem:$0x890] =	vst v63  }
0xd: {  	s7 =	sadd.s32 $0x400, s8;
	s8 =	simm.s32 @!p0 $0x500  }
0xe: {  	[tilespmem:s8], [sflag:$0x1] =	stream.linear.gather @!p0 [hbm4b:s7+s5], $0x80, $0x38;
	[tilespmem:$0x890] =	vst v63  }
0xf: {  	s28 =	simm.s32 $0x2;
	s7 =	simm.s32 @!p0 $0x580  }
0x10: {  	[tilespmem:s7], [sflag:$0x1] =	stream.linear.gather @!p0 [hbm4b:s6+s5], $0x80, $0x38;
	[tilespmem:$0x890] =	vst v63  }
0x11: {  	_ =	swait.ge [sflag:s28], $0x400  }
0x12: {  	[sflag:s28] =	ssyncset.done $0x0  }
0x13: {  	[sflag:s28] =	ssyncadd.s32 $0xFFFFFC00  }
0x14: {  	v0 =	vld [tilespmem:$0x0]  }
0x15: {  	v1 =	vld [tilespmem:$0x10]  }
0x16: {  	v2 =	vld [tilespmem:$0x20]  }
0x17: {  	v4 =	vld [tilespmem:$0x30]  }
0x18: {  	v7 =	vld [tilespmem:$0x40]  }
0x19: {  	v29 =	vld [tilespmem:$0x50]  }
0x1a: {  	v32 =	vld [tilespmem:$0x60]  }
0x1b: {  	v34 =	vld [tilespmem:$0x70]  }
0x1c: {  	v36 =	vld [tilespmem:$0x80]  }
0x1d: {  	v38 =	vld [tilespmem:$0x90]  }
0x1e: {  	v40 =	vld [tilespmem:$0xA0]  }
0x1f: {  	v42 =	vld [tilespmem:$0xB0]  }
0x20: {  	v44 =	vld [tilespmem:$0xC0]  }
0x21: {  	v46 =	vld [tilespmem:$0xD0]  }
0x22: {  	v48 =	vld [tilespmem:$0xE0]  }
0x23: {  	v50 =	vld [tilespmem:$0xF0]  }
0x24: {  	v52 =	vld [tilespmem:$0x100]  }
0x25: {  	v54 =	vld [tilespmem:$0x110]  }
0x26: {  	v56 =	vld [tilespmem:$0x120]  }
0x27: {  	v58 =	vld [tilespmem:$0x130]  }
0x28: {  	v60 =	vld [tilespmem:$0x140]  }
0x29: {  	v8 =	vimm.s32 $0x76543210;
	v62 =	vld [tilespmem:$0x150]  }
0x2a: {  	v9 =	vld [tilespmem:$0x160];
	v3 =	vand.u32 $0x1, v0;
	v0 =	vshra.s32 v0, $0x1;
	v5 =	vand.u32 $0x1, v1  }
0x2b: {  	v11 =	vld [tilespmem:$0x170];
	v1 =	vshra.s32 v1, $0x1;
	v28 =	vand.u32 $0x1, v2;
	v2 =	vshra.s32 v2, $0x1  }
0x2c: {  	v13 =	vld [tilespmem:$0x180];
	v30 =	vand.u32 $0x1, v4;
	v4 =	vshra.s32 v4, $0x1;
	v33 =	vand.u32 $0x1, v7  }
0x2d: {  	v15 =	vld [tilespmem:$0x190];
	v7 =	vshra.s32 v7, $0x1;
	v35 =	vand.u32 $0x1, v29;
	v37 =	vand.u32 $0x1, v32  }
0x2e: {  	v17 =	vld [tilespmem:$0x1A0];
	v39 =	vand.u32 $0x1, v34;
	v41 =	vand.u32 $0x1, v36;
	v43 =	vand.u32 $0x1, v38  }
0x2f: {  	v19 =	vld [tilespmem:$0x1B0];
	v45 =	vand.u32 $0x1, v40;
	v47 =	vand.u32 $0x1, v42;
	v49 =	vand.u32 $0x1, v44  }
0x30: {  	v21 =	vld [tilespmem:$0x1C0];
	v51 =	vand.u32 $0x1, v46;
	v53 =	vand.u32 $0x1, v48;
	v55 =	vand.u32 $0x1, v50  }
0x31: {  	v57 =	vand.u32 $0x1, v52;
	v59 =	vand.u32 $0x1, v54;
	v61 =	vand.u32 $0x1, v56  }
0x32: {  	v63 =	vand.u32 $0x1, v58;
	v10 =	vand.u32 $0x1, v60;
	v12 =	vand.u32 $0x1, v62  }
0x33: {  	v23 =	vld [tilespmem:$0x1D0];
	v14 =	vand.u32 $0x1, v9;
	v16 =	vand.u32 $0x1, v11;
	v18 =	vand.u32 $0x1, v13  }
0x34: {  	v20 =	vand.u32 $0x1, v15;
	v22 =	vand.u32 $0x1, v17;
	v24 =	vand.u32 $0x1, v19  }
0x35: {  	v25 =	vld [tilespmem:$0x1E0];
	v26 =	vand.u32 $0x1, v21;
	v6 =	vand.u32 v0, v3;
	v3 =	vadd.s32 v3, v5  }
0x36: {  	v27 =	vld [tilespmem:$0x1F0];
	v0 =	vadd.s32 v0, v1;
	v1 =	vand.u32 v1, v5;
	v5 =	vand.u32 v7, v33  }
0x37: {  	v1 =	vadd.s32 v6, v1;
	v3 =	vadd.s32 v28, v3;
	v0 =	vadd.s32 v2, v0  }
0x38: {  	v2 =	vand.u32 v2, v28;
	v6 =	vshra.s32 v29, $0x1;
	v28 =	vand.u32 $0x1, v23  }
0x39: {  	v1 =	vadd.s32 v2, v1;
	v31 =	vadd.s32 v30, v3;
	v0 =	vadd.s32 v4, v0  }
0x3a: {  	v4 =	vand.u32 v4, v30;
	v3 =	vshra.s32 v32, $0x1;
	v30 =	vand.u32 $0x1, v25  }
0x3b: {  	v32 =	vand.u32 $0x1, v27;
	v1 =	vadd.s32 v4, v1;
	v2 =	vadd.s32 v33, v31  }
0x3c: {  	v29 =	vld [tilespmem:$0x200];
	v0 =	vadd.s32 v7, v0;
	v4 =	vshra.s32 v34, $0x1;
	v1 =	vadd.s32 v5, v1  }
0x3d: {  	v2 =	vadd.s32 v35, v2;
	v0 =	vadd.s32 v6, v0;
	v6 =	vand.u32 v6, v35  }
0x3e: {  	v5 =	vshra.s32 v36, $0x1;
	v1 =	vadd.s32 v6, v1;
	v2 =	vadd.s32 v37, v2  }
0x3f: {  	v31 =	vld [tilespmem:$0x210];
	v0 =	vadd.s32 v3, v0;
	v3 =	vand.u32 v3, v37;
	v6 =	vshra.s32 v38, $0x1  }
0x40: {  	v33 =	vld [tilespmem:$0x220];
	v1 =	vadd.s32 v3, v1;
	v2 =	vadd.s32 v39, v2;
	v0 =	vadd.s32 v4, v0  }
0x41: {  	v4 =	vand.u32 v4, v39;
	v3 =	vshra.s32 v40, $0x1;
	v34 =	vand.u32 $0x1, v29  }
0x42: {  	v35 =	vld [tilespmem:$0x230];
	v1 =	vadd.s32 v4, v1;
	v0 =	vadd.s32 v5, v0;
	v5 =	vand.u32 v5, v41  }
0x43: {  	v2 =	vadd.s32 v41, v2;
	v4 =	vshra.s32 v42, $0x1;
	v1 =	vadd.s32 v5, v1  }
0x44: {  	v37 =	vld [tilespmem:$0x240];
	v2 =	vadd.s32 v43, v2;
	v0 =	vadd.s32 v6, v0;
	v6 =	vand.u32 v6, v43  }
0x45: {  	v5 =	vshra.s32 v44, $0x1;
	v36 =	vand.u32 $0x1, v31;
	v38 =	vand.u32 $0x1, v33  }
0x46: {  	v39 =	vld [tilespmem:$0x250];
	v1 =	vadd.s32 v6, v1;
	v2 =	vadd.s32 v45, v2;
	v0 =	vadd.s32 v3, v0  }
0x47: {  	v3 =	vand.u32 v3, v45;
	v6 =	vshra.s32 v46, $0x1;
	v40 =	vand.u32 $0x1, v35  }
0x48: {  	v41 =	vld [tilespmem:$0x260];
	v1 =	vadd.s32 v3, v1;
	v2 =	vadd.s32 v47, v2;
	v0 =	vadd.s32 v4, v0  }
0x49: {  	v4 =	vand.u32 v4, v47;
	v3 =	vshra.s32 v48, $0x1;
	v42 =	vand.u32 $0x1, v37  }
0x4a: {  	v43 =	vld [tilespmem:$0x270];
	v1 =	vadd.s32 v4, v1;
	v2 =	vadd.s32 v49, v2;
	v0 =	vadd.s32 v5, v0  }
0x4b: {  	v5 =	vand.u32 v5, v49;
	v4 =	vshra.s32 v50, $0x1;
	v44 =	vand.u32 $0x1, v39  }
0x4c: {  	v45 =	vld [tilespmem:$0x280];
	v1 =	vadd.s32 v5, v1;
	v2 =	vadd.s32 v51, v2;
	v0 =	vadd.s32 v6, v0  }
0x4d: {  	v6 =	vand.u32 v6, v51;
	v5 =	vshra.s32 v52, $0x1;
	v46 =	vand.u32 $0x1, v41  }
0x4e: {  	v47 =	vld [tilespmem:$0x290];
	v1 =	vadd.s32 v6, v1;
	v2 =	vadd.s32 v53, v2;
	v0 =	vadd.s32 v3, v0  }
0x4f: {  	v3 =	vand.u32 v3, v53;
	v6 =	vshra.s32 v54, $0x1;
	v48 =	vand.u32 $0x1, v43  }
0x50: {  	v49 =	vld [tilespmem:$0x2A0];
	v1 =	vadd.s32 v3, v1;
	v2 =	vadd.s32 v55, v2;
	v0 =	vadd.s32 v4, v0  }
0x51: {  	v4 =	vand.u32 v4, v55;
	v3 =	vshra.s32 v56, $0x1;
	v50 =	vand.u32 $0x1, v45  }
0x52: {  	v51 =	vld [tilespmem:$0x2B0];
	v1 =	vadd.s32 v4, v1;
	v2 =	vadd.s32 v57, v2;
	v0 =	vadd.s32 v5, v0  }
0x53: {  	v5 =	vand.u32 v5, v57;
	v4 =	vshra.s32 v58, $0x1;
	v52 =	vand.u32 $0x1, v47  }
0x54: {  	v53 =	vld [tilespmem:$0x2C0];
	v1 =	vadd.s32 v5, v1;
	v2 =	vadd.s32 v59, v2;
	v0 =	vadd.s32 v6, v0  }
0x55: {  	v6 =	vand.u32 v6, v59;
	v5 =	vshra.s32 v60, $0x1;
	v54 =	vand.u32 $0x1, v49  }
0x56: {  	v55 =	vld [tilespmem:$0x2D0];
	v1 =	vadd.s32 v6, v1;
	v2 =	vadd.s32 v61, v2;
	v0 =	vadd.s32 v3, v0  }
0x57: {  	v3 =	vand.u32 v3, v61;
	v6 =	vshra.s32 v62, $0x1;
	v56 =	vand.u32 $0x1, v51  }
0x58: {  	v57 =	vld [tilespmem:$0x2E0];
	v1 =	vadd.s32 v3, v1;
	v2 =	vadd.s32 v63, v2;
	v0 =	vadd.s32 v4, v0  }
0x59: {  	v4 =	vand.u32 v4, v63;
	v3 =	vshra.s32 v9, $0x1;
	v58 =	vand.u32 $0x1, v53  }
0x5a: {  	v59 =	vld [tilespmem:$0x2F0];
	v1 =	vadd.s32 v4, v1;
	v2 =	vadd.s32 v10, v2;
	v0 =	vadd.s32 v5, v0  }
0x5b: {  	v5 =	vand.u32 v5, v10;
	v4 =	vshra.s32 v11, $0x1;
	v60 =	vand.u32 $0x1, v55  }
0x5c: {  	v61 =	vld [tilespmem:$0x300];
	v1 =	vadd.s32 v5, v1;
	v2 =	vadd.s32 v12, v2;
	v0 =	vadd.s32 v6, v0  }
0x5d: {  	v6 =	vand.u32 v6, v12;
	v5 =	vshra.s32 v13, $0x1;
	v62 =	vand.u32 $0x1, v57  }
0x5e: {  	v63 =	vld [tilespmem:$0x310];
	v1 =	vadd.s32 v6, v1;
	v2 =	vadd.s32 v14, v2;
	v0 =	vadd.s32 v3, v0  }
0x5f: {  	v3 =	vand.u32 v3, v14;
	v6 =	vshra.s32 v15, $0x1;
	v9 =	vand.u32 $0x1, v59  }
0x60: {  	v10 =	vld [tilespmem:$0x320];
	v1 =	vadd.s32 v3, v1;
	v2 =	vadd.s32 v16, v2;
	v0 =	vadd.s32 v4, v0  }
0x61: {  	v4 =	vand.u32 v4, v16;
	v3 =	vshra.s32 v17, $0x1;
	v11 =	vand.u32 $0x1, v61  }
0x62: {  	v12 =	vld [tilespmem:$0x330];
	v1 =	vadd.s32 v4, v1;
	v2 =	vadd.s32 v18, v2;
	v0 =	vadd.s32 v5, v0  }
0x63: {  	v5 =	vand.u32 v5, v18;
	v4 =	vshra.s32 v19, $0x1;
	v13 =	vand.u32 $0x1, v63  }
0x64: {  	v14 =	vld [tilespmem:$0x340];
	v1 =	vadd.s32 v5, v1;
	v2 =	vadd.s32 v20, v2;
	v0 =	vadd.s32 v6, v0  }
0x65: {  	v6 =	vand.u32 v6, v20;
	v5 =	vshra.s32 v21, $0x1;
	v15 =	vand.u32 $0x1, v10  }
0x66: {  	v16 =	vld [tilespmem:$0x350];
	v1 =	vadd.s32 v6, v1;
	v2 =	vadd.s32 v22, v2;
	v0 =	vadd.s32 v3, v0  }
0x67: {  	v3 =	vand.u32 v3, v22;
	v6 =	vshra.s32 v23, $0x1;
	v17 =	vand.u32 $0x1, v12  }
0x68: {  	v18 =	vld [tilespmem:$0x360];
	v1 =	vadd.s32 v3, v1;
	v2 =	vadd.s32 v24, v2;
	v0 =	vadd.s32 v4, v0  }
0x69: {  	v4 =	vand.u32 v4, v24;
	v3 =	vshra.s32 v25, $0x1;
	v19 =	vand.u32 $0x1, v14  }
0x6a: {  	v20 =	vld [tilespmem:$0x370];
	v1 =	vadd.s32 v4, v1;
	v2 =	vadd.s32 v26, v2;
	v0 =	vadd.s32 v5, v0  }
0x6b: {  	v5 =	vand.u32 v5, v26;
	v4 =	vshra.s32 v27, $0x1;
	v21 =	vand.u32 $0x1, v16  }
0x6c: {  	v22 =	vld [tilespmem:$0x380];
	v1 =	vadd.s32 v5, v1;
	v2 =	vadd.s32 v28, v2;
	v0 =	vadd.s32 v6, v0  }
0x6d: {  	v6 =	vand.u32 v6, v28;
	v5 =	vshra.s32 v29, $0x1;
	v23 =	vand.u32 $0x1, v18  }
0x6e: {  	v24 =	vld [tilespmem:$0x390];
	v1 =	vadd.s32 v6, v1;
	v2 =	vadd.s32 v30, v2;
	v0 =	vadd.s32 v3, v0  }
0x6f: {  	v3 =	vand.u32 v3, v30;
	v6 =	vshra.s32 v31, $0x1;
	v25 =	vand.u32 $0x1, v20  }
0x70: {  	v26 =	vld [tilespmem:$0x3A0];
	v1 =	vadd.s32 v3, v1;
	v2 =	vadd.s32 v32, v2;
	v0 =	vadd.s32 v4, v0  }
0x71: {  	v4 =	vand.u32 v4, v32;
	v3 =	vshra.s32 v33, $0x1;
	v27 =	vand.u32 $0x1, v22  }
0x72: {  	v28 =	vld [tilespmem:$0x3B0];
	v1 =	vadd.s32 v4, v1;
	v2 =	vadd.s32 v34, v2;
	v0 =	vadd.s32 v5, v0  }
0x73: {  	v5 =	vand.u32 v5, v34;
	v4 =	vshra.s32 v35, $0x1;
	v29 =	vand.u32 $0x1, v24  }
0x74: {  	v30 =	vld [tilespmem:$0x3C0];
	v1 =	vadd.s32 v5, v1;
	v2 =	vadd.s32 v36, v2;
	v0 =	vadd.s32 v6, v0  }
0x75: {  	v6 =	vand.u32 v6, v36;
	v5 =	vshra.s32 v37, $0x1;
	v31 =	vand.u32 $0x1, v26  }
0x76: {  	v1 =	vadd.s32 v6, v1;
	v2 =	vadd.s32 v38, v2;
	v0 =	vadd.s32 v3, v0  }
0x77: {  	v32 =	vld [tilespmem:$0x3D0];
	v3 =	vand.u32 v3, v38;
	v6 =	vshra.s32 v39, $0x1;
	v33 =	vand.u32 $0x1, v28  }
0x78: {  	v1 =	vadd.s32 v3, v1;
	v2 =	vadd.s32 v40, v2;
	v0 =	vadd.s32 v4, v0  }
0x79: {  	v4 =	vand.u32 v4, v40;
	v3 =	vshra.s32 v41, $0x1;
	v35 =	vand.u32 $0x1, v30  }
0x7a: {  	v41 =	vimm.s32 $0xFEDCBA98;
	v1 =	vadd.s32 v4, v1;
	v2 =	vadd.s32 v42, v2  }
0x7b: {  	v37 =	vld [tilespmem:$0x3E0];
	v0 =	vadd.s32 v5, v0;
	v5 =	vand.u32 v5, v42;
	v4 =	vshra.s32 v43, $0x1  }
0x7c: {  	v38 =	vand.u32 $0x1, v32;
	v39 =	vshra.s32 v32, $0x1;
	v7 =	vunpack.c.l.s4.s8 v41  }
0x7d: {  	v42 =	vunpack.c.l.s4.s8 v8;
	v1 =	vadd.s32 v5, v1;
	v2 =	vadd.s32 v44, v2  }
0x7e: {  	v0 =	vadd.s32 v6, v0;
	v6 =	vand.u32 v6, v44;
	v5 =	vshra.s32 v45, $0x1  }
0x7f: {  	v1 =	vadd.s32 v6, v1;
	v2 =	vadd.s32 v46, v2;
	v0 =	vadd.s32 v3, v0  }
0x80: {  	v3 =	vand.u32 v3, v46;
	v6 =	vshra.s32 v47, $0x1;
	v43 =	vand.u32 $0x1, v37  }
0x81: {  	v40 =	vld [tilespmem:$0x3F0];
	v7 =	vunpack.c.0.s8.s32 v7;
	v46 =	vimm.s32 $0xBA98FEDC;
	v47 =	vimm.s32 $0x32107654  }
0x82: {  	v1 =	vadd.s32 v3, v1;
	v2 =	vadd.s32 v48, v2;
	v0 =	vadd.s32 v4, v0  }
0x83: {  	v4 =	vand.u32 v4, v48;
	v3 =	vshra.s32 v49, $0x1;
	v48 =	vunpack.c.l.s4.s8 v46  }
0x84: {  	v49 =	vunpack.c.l.s4.s8 v47;
	v1 =	vadd.s32 v4, v1;
	v2 =	vadd.s32 v50, v2  }
0x85: {  	v0 =	vadd.s32 v5, v0;
	v5 =	vand.u32 v5, v50;
	v4 =	vshra.s32 v51, $0x1  }
0x86: {  	v44 =	vand.u32 $0x1, v40;
	v7 =	vand.u32 $0xF, v7;
	v1 =	vadd.s32 v5, v1  }
0x87: {  	v2 =	vadd.s32 v52, v2;
	v0 =	vadd.s32 v6, v0;
	v6 =	vand.u32 v6, v52  }
0x88: {  	v5 =	vshra.s32 v53, $0x1;
	v1 =	vadd.s32 v6, v1;
	v2 =	vadd.s32 v54, v2  }
0x89: {  	v0 =	vadd.s32 v3, v0;
	v3 =	vand.u32 v3, v54;
	v6 =	vshra.s32 v55, $0x1  }
0x8a: {  	v1 =	vadd.s32 v3, v1;
	v0 =	vadd.s32 v4, v0;
	v4 =	vand.u32 v4, v56  }
0x8b: {  	v2 =	vadd.s32 v56, v2;
	v3 =	vshra.s32 v57, $0x1;
	v1 =	vadd.s32 v4, v1  }
0x8c: {  	v2 =	vadd.s32 v58, v2;
	v0 =	vadd.s32 v5, v0;
	v5 =	vand.u32 v5, v58  }
0x8d: {  	v4 =	vshra.s32 v59, $0x1;
	v1 =	vadd.s32 v5, v1;
	v2 =	vadd.s32 v60, v2  }
0x8e: {  	v0 =	vadd.s32 v6, v0;
	v6 =	vand.u32 v6, v60;
	v5 =	vshra.s32 v61, $0x1  }
0x8f: {  	v1 =	vadd.s32 v6, v1;
	v0 =	vadd.s32 v3, v0;
	v3 =	vand.u32 v3, v62  }
0x90: {  	v2 =	vadd.s32 v62, v2;
	v6 =	vshra.s32 v63, $0x1;
	v1 =	vadd.s32 v3, v1  }
0x91: {  	v2 =	vadd.s32 v9, v2;
	v0 =	vadd.s32 v4, v0;
	v4 =	vand.u32 v4, v9  }
0x92: {  	v3 =	vshra.s32 v10, $0x1;
	v1 =	vadd.s32 v4, v1;
	v2 =	vadd.s32 v11, v2  }
0x93: {  	v0 =	vadd.s32 v5, v0;
	v5 =	vand.u32 v5, v11;
	v4 =	vshra.s32 v12, $0x1  }
0x94: {  	v1 =	vadd.s32 v5, v1;
	v0 =	vadd.s32 v6, v0;
	v6 =	vand.u32 v6, v13  }
0x95: {  	v2 =	vadd.s32 v13, v2;
	v5 =	vshra.s32 v14, $0x1;
	v1 =	vadd.s32 v6, v1  }
0x96: {  	v2 =	vadd.s32 v15, v2;
	v0 =	vadd.s32 v3, v0;
	v3 =	vand.u32 v3, v15  }
0x97: {  	v6 =	vshra.s32 v16, $0x1;
	v1 =	vadd.s32 v3, v1;
	v2 =	vadd.s32 v17, v2  }
0x98: {  	v0 =	vadd.s32 v4, v0;
	v4 =	vand.u32 v4, v17;
	v3 =	vshra.s32 v18, $0x1  }
0x99: {  	v1 =	vadd.s32 v4, v1;
	v0 =	vadd.s32 v5, v0;
	v5 =	vand.u32 v5, v19  }
0x9a: {  	v2 =	vadd.s32 v19, v2;
	v4 =	vshra.s32 v20, $0x1;
	v1 =	vadd.s32 v5, v1  }
0x9b: {  	v2 =	vadd.s32 v21, v2;
	v0 =	vadd.s32 v6, v0;
	v6 =	vand.u32 v6, v21  }
0x9c: {  	v5 =	vshra.s32 v22, $0x1;
	v1 =	vadd.s32 v6, v1;
	v2 =	vadd.s32 v23, v2  }
0x9d: {  	v0 =	vadd.s32 v3, v0;
	v3 =	vand.u32 v3, v23;
	v6 =	vshra.s32 v24, $0x1  }
0x9e: {  	v1 =	vadd.s32 v3, v1;
	v0 =	vadd.s32 v4, v0;
	v4 =	vand.u32 v4, v25  }
0x9f: {  	v2 =	vadd.s32 v25, v2;
	v3 =	vshra.s32 v26, $0x1;
	v1 =	vadd.s32 v4, v1  }
0xa0: {  	v2 =	vadd.s32 v27, v2;
	v0 =	vadd.s32 v5, v0;
	v5 =	vand.u32 v5, v27  }
0xa1: {  	v4 =	vshra.s32 v28, $0x1;
	v1 =	vadd.s32 v5, v1;
	v2 =	vadd.s32 v29, v2  }
0xa2: {  	v0 =	vadd.s32 v6, v0;
	v6 =	vand.u32 v6, v29;
	v34 =	vand.u32 v4, v33  }
0xa3: {  	v1 =	vadd.s32 v6, v1;
	v0 =	vadd.s32 v3, v0;
	v3 =	vand.u32 v3, v31  }
0xa4: {  	v5 =	vshra.s32 v30, $0x1;
	v2 =	vadd.s32 v31, v2;
	v1 =	vadd.s32 v3, v1  }
0xa5: {  	v36 =	vand.u32 v5, v35;
	v6 =	vshra.s32 v40, $0x1;
	v1 =	vadd.s32 v34, v1  }
0xa6: {  	v2 =	vadd.s32 v33, v2;
	v3 =	vand.u32 v39, v38;
	v1 =	vadd.s32 v36, v1  }
0xa7: {  	v0 =	vadd.s32 v4, v0;
	v1 =	vadd.s32 v3, v1;
	v3 =	vunpack.c.0.s8.s32 v42  }
0xa8: {  	v4 =	vshra.s32 v37, $0x1;
	v45 =	vand.u32 v6, v44;
	v2 =	vadd.s32 v35, v2  }
0xa9: {  	v0 =	vadd.s32 v5, v0;
	v5 =	vand.u32 v4, v43;
	v3 =	vcombine.low v7, v3  }
0xaa: {  	v2 =	vadd.s32 v38, v2;
	v0 =	vadd.s32 v39, v0;
	v1 =	vadd.s32 v5, v1  }
0xab: {  	v2 =	vadd.s32 v43, v2;
	v0 =	vadd.s32 v4, v0;
	v1 =	vadd.s32 v45, v1  }
0xac: {  	v2 =	vadd.s32 v44, v2;
	v0 =	vadd.s32 v6, v0;
	v1 =	vshll.u32 v1, $0x10  }
0xad: {  	[tilespmem:$0x800] =	vst v0;
	v1 =	vadd.s32 v1, v2  }
0xae: {  	s29 =	simm.s32 $0x780;
	v4 =	vunpack.c.0.s8.s32 v49;
	v2 =	vunpack.c.0.s8.s32 v48;
	[tilespmem:$0x780] =	vst v1  }
0xaf: {  	s30 =	simm.s32 $0x800;
	v50 =	vld.idx.msk [tilespmem:v3+s29+$0x0], $0xffff  }
0xb0: {  	v2 =	vcombine.low v4, v2;
	v3 =	vld.idx.msk [tilespmem:v3+s30+$0x0], $0xffff;
	_ =	sdelay $0x1  }
0xb1: {  	v2 =	vand.u32 $0xF, v2  }
0xb2: {  	v51 =	vimm.s32 $0xDCFE98BA;
	v52 =	vimm.s32 $0x54761032  }
0xb3: {  	v53 =	vunpack.c.l.s4.s8 v52;
	v4 =	vunpack.c.l.s4.s8 v51;
	v1 =	vadd.s32 v50, v1  }
0xb4: {  	v0 =	vadd.s32 v0, v3;
	[tilespmem:$0x780] =	vst v1  }
0xb5: {  	v55 =	vunpack.c.0.s8.s32 v53;
	v54 =	vunpack.c.0.s8.s32 v4;
	[tilespmem:$0x800] =	vst v0  }
0xb6: {  	v56 =	vld.idx.msk [tilespmem:v2+s29+$0x0], $0xffff  }
0xb7: {  	v3 =	vcombine.low v55, v54;
	v2 =	vld.idx.msk [tilespmem:v2+s30+$0x0], $0xffff;
	_ =	sdelay $0x1  }
0xb8: {  	v3 =	vand.u32 $0xF, v3  }
0xb9: {  	v57 =	vimm.s32 $0xEFCDAB89;
	v58 =	vimm.s32 $0x67452301  }
0xba: {  	v59 =	vunpack.c.l.s4.s8 v58;
	v4 =	vunpack.c.l.s4.s8 v57;
	v1 =	vadd.s32 v1, v56  }
0xbb: {  	v0 =	vadd.s32 v0, v2;
	[tilespmem:$0x780] =	vst v1  }
0xbc: {  	v61 =	vunpack.c.0.s8.s32 v59;
	v60 =	vunpack.c.0.s8.s32 v4;
	[tilespmem:$0x800] =	vst v0  }
0xbd: {  	v62 =	vld.idx.msk [tilespmem:v3+s29+$0x0], $0xffff  }
0xbe: {  	v2 =	vcombine.low v61, v60;
	v3 =	vld.idx.msk [tilespmem:v3+s30+$0x0], $0xffff;
	_ =	sdelay $0x1  }
0xbf: {  	v2 =	vand.u32 $0xF, v2;
	_ =	sdelay $0x1  }
0xc0: {  	v1 =	vadd.s32 v1, v62  }
0xc1: {  	v0 =	vadd.s32 v0, v3;
	[tilespmem:$0x780] =	vst v1  }
0xc2: {  	[tilespmem:$0x800] =	vst v0  }
0xc3: {  	v63 =	vld.idx.msk [tilespmem:v2+s29+$0x0], $0xffff  }
0xc4: {  	v2 =	vld.idx.msk [tilespmem:v2+s30+$0x0], $0xffff;
	_ =	sdelay $0x3  }
0xc5: {  	vm0 =	vcmask $0x2F24;
	vm13 =	vcmask $0x2318;
	v1 =	vadd.s32 v1, v63  }
0xc6: {  	v0 =	vadd.s32 v0, v2;
	v3 =	vshra.s32 v1, $0x10;
	v1 =	vand.u32 $0xFFFF, v1  }
0xc7: {  	v1 =	vsub.s32 v1, v3;
	v2 =	vsub.s32 v0, v3;
	v3 =	vnsel vm0, $0x0, v3  }
0xc8: {  	vm14 =	vcmask $0x170C;
	v0 =	vadd.s32 v1, v0;
	v2 =	vsel vm13, v2, v3  }
0xc9: {  	vm15 =	vmmov $0x7;
	v0 =	vsub.s32 $0x400, v0;
	v1 =	vsel vm14, v1, v2  }
0xca: {  	s4 =	sshll.u32 s4, $0x4;
	v0 =	vsel vm15, v0, v1  }
0xcb: {  	s31 =	simm.s32 $0x400;
	s4 =	sadd.s32 s4, s3;
	[tilespmem:$0x400] =	vst v0  }
0xcc: {  	[spmem:s4] =	stream.linear.scatter [tilespmem:s31], [sflag:$0x3], $0x10, $0x38;
	[tilespmem:$0x890] =	vst v63  }
0xcd: {  	s4 =	simm.s32 $0x3  }
0xce: {  	_ =	swait.ge [sflag:s4], $0x10  }
0xcf: {  	[sflag:s4] =	ssyncset.done $0x0  }
0xd0: {  	[sflag:s4] =	ssyncadd.s32 $0xFFFFFFF0  }
0xd1: {  	[bflag:$0x0] =	sbarrier.arrive $0xFFFF  }
0xd2: {  	_ =	sfence.sel @p0 $0x180000  }
0xd3: {  	[bflag:$0x0] =	sbarrier.arrive @p0 $0xFFFF  }
0xd4: {  	_ =	strace @p0 $0x90000047  }
0xd5: {  	[bflag:$0x2] =	sbarrier.arrive @p0 $0xFFFF  }
0xd6: {  	_ =	shalt @p0  }
.LBB2_1:
0xd7: {  	s5 =	simm.s32 $0x680  }
0xd8: {  	[tilespmem:s5], [sflag:$0x3] =	stream.linear.gather [spmem:s3], $0x100, $0x38;
	[tilespmem:$0x890] =	vst v63  }
0xd9: {  	_ =	swait.ge [sflag:s4], $0x100  }
0xda: {  	[sflag:s4] =	ssyncset.done $0x0  }
0xdb: {  	[sflag:s4] =	ssyncadd.s32 $0xFFFFFF00  }
0xdc: {  	v0 =	vld [tilespmem:$0x680]  }
0xdd: {  	v1 =	vld [tilespmem:$0x690]  }
0xde: {  	v2 =	vld [tilespmem:$0x6A0]  }
0xdf: {  	v3 =	vld [tilespmem:$0x6B0]  }
0xe0: {  	v4 =	vld [tilespmem:$0x6C0]  }
0xe1: {  	v5 =	vld [tilespmem:$0x6D0]  }
0xe2: {  	v6 =	vld [tilespmem:$0x6E0]  }
0xe3: {  	v7 =	vld [tilespmem:$0x6F0]  }
0xe4: {  	v8 =	vld [tilespmem:$0x700]  }
0xe5: {  	v9 =	vld [tilespmem:$0x710]  }
0xe6: {  	v10 =	vld [tilespmem:$0x720]  }
0xe7: {  	v11 =	vld [tilespmem:$0x730]  }
0xe8: {  	v12 =	vld [tilespmem:$0x740]  }
0xe9: {  	v15 =	vimm.s32 $0x22111332;
	v13 =	vld [tilespmem:$0x750]  }
0xea: {  	s26 =	simm.s32 $0x1;
	v15 =	vunpack.c.l.s4.s8 v15;
	v14 =	vld [tilespmem:$0x760]  }
0xeb: {  	v16 =	vld [tilespmem:$0x770];
	_ =	swait.ge [sflag:s26], $0x80  }
0xec: {  	v15 =	vunpack.c.0.s8.s32 v15;
	[sflag:s26] =	ssyncset.done $0x0  }
0xed: {  	vm0 =	vcmask $0x2B0C;
	[sflag:s26] =	ssyncadd.s32 $0xFFFFFF80  }
0xee: {  	vm12 =	vcmask $0x2F2C;
	v15 =	vnsel vm0, $0x0, v15;
	_ =	swait.ge [sflag:s26], $0x80  }
0xef: {  	v15 =	vsel vm12, $0x3, v15;
	[sflag:s26] =	ssyncset.done $0x0  }
0xf0: {  	[sflag:s26] =	ssyncadd.s32 $0xFFFFFF80  }
0xf1: {  	_ =	swait.ge [sflag:s26], $0x80  }
0xf2: {  	[sflag:s26] =	ssyncset.done $0x0  }
0xf3: {  	s28 =	simm.s32 $0x480;
	v54 =	vimm.s32 $0x924924;
	[sflag:s26] =	ssyncadd.s32 $0xFFFFFF80  }
0xf4: {  	v0 =	vadd.s32 v0, v1;
	v1 =	vunpack.c.l.s2.s4 v54;
	v55 =	vld.idx.msk [tilespmem:v15+s28+$0x0], $0xffff  }
0xf5: {  	v0 =	vadd.s32 v2, v0  }
0xf6: {  	v0 =	vadd.s32 v3, v0;
	v1 =	vunpack.c.l.s4.s8 v1  }
0xf7: {  	v0 =	vadd.s32 v4, v0  }
0xf8: {  	v56 =	vimm.s32 $0xA9876543;
	v0 =	vadd.s32 v5, v0;
	v1 =	vunpack.c.0.s8.s32 v1  }
0xf9: {  	v57 =	vimm.s32 $0x20100;
	v0 =	vadd.s32 v6, v0;
	v2 =	vmul.u32 $0x3, v55  }
0xfa: {  	vm13 =	vcmask $0x1300;
	v0 =	vadd.s32 v7, v0;
	v1 =	vand.u32 $0x3, v1  }
0xfb: {  	v58 =	vimm.s32 $0xDCBA9876;
	v0 =	vadd.s32 v8, v0;
	v1 =	vadd.s32 v1, v2  }
0xfc: {  	vm14 =	vcmask $0x1F00;
	v59 =	vimm.s32 $0xE0D0C0B;
	v0 =	vadd.s32 v9, v0  }
0xfd: {  	v60 =	vimm.s32 $0xFFEDCBA9;
	v0 =	vadd.s32 v10, v0;
	v2 =	vunpack.c.l.s4.s8 v56  }
0xfe: {  	vm1 =	vcmask $0x2F20;
	v3 =	vunpack.c.0.s8.s32 v57;
	v0 =	vadd.s32 v11, v0  }
0xff: {  	s29 =	simm.s32 $0x500;
	v4 =	vunpack.c.l.s4.s8 v58;
	v0 =	vadd.s32 v12, v0;
	v2 =	vunpack.c.0.s8.s32 v2  }
0x100: {  	v3 =	vnsel vm13, $0x0, v3;
	v5 =	vunpack.c.0.s8.s32 v59;
	v0 =	vadd.s32 v13, v0;
	v1 =	vld.idx.msk [tilespmem:v1+s29+$0x0], $0xffff  }
0x101: {  	v4 =	vunpack.c.0.s8.s32 v4;
	v0 =	vadd.s32 v14, v0;
	v2 =	vand.u32 $0xF, v2  }
0x102: {  	v6 =	vunpack.c.l.s4.s8 v60;
	v0 =	vadd.s32 v16, v0;
	v2 =	vnsel vm14, $0xF, v2  }
0x103: {  	v4 =	vand.u32 $0xF, v4;
	v0 =	vcvt.s32.f32 v0;
	v2 =	vsel vm1, v5, v2  }
0x104: {  	vm15 =	vcmask $0x2320;
	v61 =	vunpack.c.0.s8.s32 v6;
	v4 =	vnsel vm14, $0xF, v4  }
0x105: {  	v62 =	vsel vm15, $0xE, v4;
	v0 =	vmul.f32 v0, v1  }
0x106: {  	s30 =	simm.s32 $0x580;
	v63 =	vand.u32 $0xF, v61  }
0x107: {  	s31 =	simm.s32 $0x600;
	v3 =	vld.idx.msk [tilespmem:v3+s30+$0x0], $0xffff;
	v4 =	vnsel vm14, $0xF, v63;
	[tilespmem:$0x600] =	vst v0  }
0x108: {  	v2 =	vld.idx.msk [tilespmem:v2+s31+$0x0], $0xffff;
	_ =	sdelay $0x1  }
0x109: {  	v1 =	vld.idx.msk [tilespmem:v62+s31+$0x0], $0xffff;
	_ =	sdelay $0x1  }
0x10a: {  	v4 =	vld.idx.msk [tilespmem:v4+s31+$0x0], $0xffff  }
0x10b: {  	v0 =	vadd.f32 v2, v0;
	_ =	sdelay $0x1  }
0x10c: {  	v0 =	vadd.f32 v1, v0;
	_ =	sdelay $0x1  }
0x10d: {  	v0 =	vadd.f32 v4, v0;
	_ =	sdelay $0x1  }
0x10e: {  	v0 =	vadd.f32 v0, v3;
	_ =	sdelay $0x1  }
0x10f: {  	[tilespmem:$0x600] =	vst v0  }
0x110: {  	[hbm4b:s1+s2] =	stream.linear.scatter [tilespmem:s31], [sflag:$0x3], $0x3, $0x38;
	[tilespmem:$0x890] =	vst v63  }
0x111: {  	_ =	swait.ge [sflag:s4], $0x3  }
0x112: {  	[sflag:s4] =	ssyncset.done $0x0  }
0x113: {  	[sflag:s4] =	ssyncadd.s32 $0xFFFFFFFD  }
0x114: {  	_ =	sfence.sel $0x180000  }
0x115: {  	[bflag:$0x0] =	sbarrier.arrive $0xFFFF  }
0x116: {  	_ =	strace $0x90000047  }
0x117: {  	s0 =	sadd.s32 $0x100000, s0;
	[bflag:$0x2] =	sbarrier.arrive $0xFFFF  }
0x118: {  	[sflag:s0] =	ssyncadd.tile.s32 $0x1;
	_ =	shalt  }
.Lfunc_end2:
_tile_overlayer_lowered:
.L_overlay_start_2:
0x119: {  	(tag) =	ssettag $0x2  }
0x11a: {  	s0 =	rddreg [dreg:$0x0];
	s2 =	stileid.u32  }
0x11b: {  	s1 =	rddreg [dreg:$0x1];
	p0 =	sne.s32 s2, $0x0  }
0x11c: {  	s3 =	rddreg [dreg:$0x2];
	[bflag:$0x3] =	sbarrier.arrive $0xFFFF;
	s2 =	simm.s32 @!p0 $0x1C03  }
0x11d: {  	[timem:s3], [sflag:s2] =	dma.local @!p0 [hbm:s0], s1  }
0x11e: {  	s0 =	simm.s32 @!p0 $0x3  }
0x11f: {  	_ =	swait.ge @!p0 [sflag:s0], s1  }
0x120: {  	s1 =	ssub.s32 @!p0 $0x0, s1;
	[sflag:s0] =	ssyncset.done @!p0 $0x0  }
0x121: {  	[sflag:s0] =	ssyncadd.s32 @!p0 s1  }
0x122: {  	[bflag:$0x3] =	sbarrier.arrive $0xFFFF  }
0x123: {  	_ =	shalt  }

</sc_bundles>
